<compile_context>
chip_gen: v7x
topology: tpu7x:2x2x1
jax: 0.10.2.dev20260603
libtpu: 0.0.44.dev20260713+nightly
codegen_flags: <defaults>
</compile_context>

<pallas_src>
import functools

import jax
import jax.numpy as jnp
from jax import lax
from jax.experimental import pallas as pl
from jax.experimental.pallas import tpu as pltpu
from jax.experimental.pallas import tpu_sc as plsc

D = 128
SEQ = 2048
BATCH = 4
B_TOTAL = BATCH * SEQ
NC, NS, L = 2, 16, 16
NW = NC * NS
BPW = B_TOTAL // NW
SCH = SEQ // NW


def _emb_body(idx_hbm, word_hbm, pos_hbm, out_hbm, idx_v, rows_v, pos_v,
              isem, gsem, psem, osem):
    wid = lax.axis_index("s") * NC + lax.axis_index("c")
    s0 = wid * SCH

    idxcp = [
        pltpu.async_copy(idx_hbm.at[pl.ds(b * SEQ + s0, SCH)],
                         idx_v.at[b], isem.at[b])
        for b in range(BATCH)
    ]
    poscp = pltpu.async_copy(pos_hbm.at[pl.ds(s0, SCH)], pos_v, psem)

    gathers = []
    for b in range(BATCH):
        idxcp[b].wait()
        gathers.append(
            pltpu.async_copy(word_hbm.at[idx_v.at[b]],
                             rows_v.at[pl.ds(b * SCH, SCH)], gsem.at[b]))

    poscp.wait()
    outs = []
    for b in range(BATCH):
        gathers[b].wait()

        @plsc.parallel_loop(0, SCH)
        def add_row(j, b=b):
            row = b * SCH + j
            for k in range(D // L):
                sl = pl.ds(k * L, L)
                plsc.addupdate(rows_v.at[row, sl], pos_v[j, sl])
        outs.append(
            pltpu.async_copy(rows_v.at[pl.ds(b * SCH, SCH)],
                             out_hbm.at[pl.ds(b * SEQ + s0, SCH)],
                             osem.at[b]))
    for o in outs:
        o.wait()


@jax.jit
def kernel(inputs, word_embedding, position_embedding):
    idx = inputs.astype(jnp.int32).reshape(B_TOTAL)
    mesh = plsc.VectorSubcoreMesh(core_axis_name="c", subcore_axis_name="s")
    out = pl.kernel(
        _emb_body,
        mesh=mesh,
        out_type=jax.ShapeDtypeStruct((B_TOTAL, D), jnp.float32),
        scratch_types=[
            pltpu.VMEM((BATCH, SCH), jnp.int32),
            pltpu.VMEM((BPW, D), jnp.float32),
            pltpu.VMEM((SCH, D), jnp.float32),
            pltpu.SemaphoreType.DMA((BATCH,)),
            pltpu.SemaphoreType.DMA((BATCH,)),
            pltpu.SemaphoreType.DMA,
            pltpu.SemaphoreType.DMA((BATCH,)),
        ],
    )(idx, word_embedding, position_embedding)
    return out.reshape(BATCH, SEQ, D)

# --- scband reference (transcript-rebuilt; emitter-appended) ---
"""Pipeline reference for scband-embedding-90640989815362 (READ-ONLY COPY).

The authoritative reference and input builder live on the scoring server;
editing this copy changes nothing except your own understanding.
"""

import jax, jax.numpy as jnp
import numpy as np

VOCAB_SIZE = 100000
EMBED_SIZE = 128
MAX_POS = 2048
BATCH = 4
SEQ = 2048

def setup_inputs(seed: int = 0) -> dict:
    key = jax.random.key(seed)
    k1, k2, k3 = jax.random.split(key, 3)
    inputs = jax.random.randint(k1, (BATCH, SEQ), 0, VOCAB_SIZE, dtype=jnp.int64 if jax.config.jax_enable_x64 else jnp.int32)
    word_embedding = jax.random.normal(k2, (VOCAB_SIZE, EMBED_SIZE), dtype=jnp.float32) * 0.02
    position_embedding = jax.random.normal(k3, (MAX_POS, EMBED_SIZE), dtype=jnp.float32) * 0.02
    return {"inputs": inputs, "word_embedding": word_embedding, "position_embedding": position_embedding}

def reference(inputs, word_embedding, position_embedding):
    # word embedding gather
    x = jnp.take(word_embedding, inputs, axis=0)
    # positional embedding slice (start=0)
    start = 0
    seq_len = inputs.shape[1]
    pe = jax.lax.dynamic_slice_in_dim(position_embedding, start, seq_len, axis=0)
    x = x + pe
    return x

if __name__ == "__main__":
    import jax
    _d = setup_inputs()
    print(jax.jit(kernel)(*tuple(_d.values())))

</pallas_src>

<mosaic_0001>
#map = affine_map<(d0, d1) -> (0)>
#map1 = affine_map<(d0, d1) -> (0, 0)>
module attributes {stable_mosaic.version = 14 : i64} {
  func.func @_emb_body(%arg0: i32, %arg1: i32, %arg2: memref<8192xi32, #tpu.memory_space<hbm>>, %arg3: memref<100000x128xf32, #tpu.memory_space<hbm>>, %arg4: memref<2048x128xf32, #tpu.memory_space<hbm>>, %arg5: memref<8192x128xf32, #tpu.memory_space<hbm>>, %arg6: memref<4x64xi32, #tpu.memory_space<vmem>>, %arg7: memref<256x128xf32, #tpu.memory_space<vmem>>, %arg8: memref<64x128xf32, #tpu.memory_space<vmem>>, %arg9: memref<4x!tpu.dma_semaphore, #tpu.memory_space<semaphore_mem>>, %arg10: memref<4x!tpu.dma_semaphore, #tpu.memory_space<semaphore_mem>>, %arg11: memref<!tpu.dma_semaphore, #tpu.memory_space<semaphore_mem>>, %arg12: memref<4x!tpu.dma_semaphore, #tpu.memory_space<semaphore_mem>>) attributes {dimension_semantics = [#tpu.dimension_semantics<core_parallel>, #tpu.dimension_semantics<subcore_parallel>], iteration_bounds = array<i64: 2, 16>, scalar_prefetch = 0 : i64, scratch_operands = 7 : i64, tpu.core_type = #tpu.core_type<sc_vector_subcore>, window_params = [{transform_indices = #map}, {transform_indices = #map1}, {transform_indices = #map1}, {transform_indices = #map1}]} {
    %mul3A = arith.constant 2 : i32
    %mul3A_0 = arith.muli %arg1, %mul3A : i32
    %add3A = arith.addi %mul3A_0, %arg0 : i32
    %mul3A_1 = arith.constant 64 : i32
    %mul3A_2 = arith.muli %add3A, %mul3A_1 : i32
    %add3A_3 = arith.constant 0 : i32
    %add3A_4 = arith.addi %add3A_3, %mul3A_2 : i32
    %dma_start3A = arith.constant 0 : i32
    %dma_start3A_5 = arith.constant 0 : i32
    %dma_start3A_6 = arith.constant 0 : i32
    %dma_start3A_7 = tpu.memref_slice %arg6[%dma_start3A, %dma_start3A_6] : memref<4x64xi32, #tpu.memory_space<vmem>> -> memref<1x64xi32, #tpu.memory_space<vmem>>
    %dma_start3A_8 = tpu.memref_squeeze %dma_start3A_7 : memref<1x64xi32, #tpu.memory_space<vmem>> -> memref<64xi32, #tpu.memory_space<vmem>>
    %dma_start3A_9 = tpu.memref_slice %arg2[%add3A_4] : memref<8192xi32, #tpu.memory_space<hbm>> -> memref<64xi32, #tpu.memory_space<hbm>>
    %dma_start3A_10 = tpu.memref_slice %arg9[%dma_start3A_5] : memref<4x!tpu.dma_semaphore, #tpu.memory_space<semaphore_mem>> -> memref<1x!tpu.dma_semaphore, #tpu.memory_space<semaphore_mem>>
    %dma_start3A_11 = tpu.memref_squeeze %dma_start3A_10 : memref<1x!tpu.dma_semaphore, #tpu.memory_space<semaphore_mem>> -> memref<!tpu.dma_semaphore, #tpu.memory_space<semaphore_mem>>
    %dma_start3A_12 = arith.constant 0 : i32
    %dma_start3A_13 = tpu.memref_slice %arg6[%dma_start3A, %dma_start3A_12] : memref<4x64xi32, #tpu.memory_space<vmem>> -> memref<1x64xi32, #tpu.memory_space<vmem>>
    %dma_start3A_14 = tpu.memref_squeeze %dma_start3A_13 : memref<1x64xi32, #tpu.memory_space<vmem>> -> memref<64xi32, #tpu.memory_space<vmem>>
    %dma_start3A_15 = tpu.memref_slice %arg2[%add3A_4] : memref<8192xi32, #tpu.memory_space<hbm>> -> memref<64xi32, #tpu.memory_space<hbm>>
    tpu.enqueue_dma source(%dma_start3A_15 : memref<64xi32, #tpu.memory_space<hbm>>) target(%dma_start3A_14 : memref<64xi32, #tpu.memory_space<vmem>>) target_semaphore(%dma_start3A_11 : memref<!tpu.dma_semaphore, #tpu.memory_space<semaphore_mem>>)
    %add3A_16 = arith.constant 2048 : i32
    %add3A_17 = arith.addi %add3A_16, %mul3A_2 : i32
    %dma_start3A_18 = arith.constant 1 : i32
    %dma_start3A_19 = arith.constant 1 : i32
    %dma_start3A_20 = arith.constant 0 : i32
    %dma_start3A_21 = tpu.memref_slice %arg6[%dma_start3A_18, %dma_start3A_20] : memref<4x64xi32, #tpu.memory_space<vmem>> -> memref<1x64xi32, #tpu.memory_space<vmem>>
    %dma_start3A_22 = tpu.memref_squeeze %dma_start3A_21 : memref<1x64xi32, #tpu.memory_space<vmem>> -> memref<64xi32, #tpu.memory_space<vmem>>
    %dma_start3A_23 = tpu.memref_slice %arg2[%add3A_17] : memref<8192xi32, #tpu.memory_space<hbm>> -> memref<64xi32, #tpu.memory_space<hbm>>
    %dma_start3A_24 = tpu.memref_slice %arg9[%dma_start3A_19] : memref<4x!tpu.dma_semaphore, #tpu.memory_space<semaphore_mem>> -> memref<1x!tpu.dma_semaphore, #tpu.memory_space<semaphore_mem>>
    %dma_start3A_25 = tpu.memref_squeeze %dma_start3A_24 : memref<1x!tpu.dma_semaphore, #tpu.memory_space<semaphore_mem>> -> memref<!tpu.dma_semaphore, #tpu.memory_space<semaphore_mem>>
    %dma_start3A_26 = arith.constant 0 : i32
    %dma_start3A_27 = tpu.memref_slice %arg6[%dma_start3A_18, %dma_start3A_26] : memref<4x64xi32, #tpu.memory_space<vmem>> -> memref<1x64xi32, #tpu.memory_space<vmem>>
    %dma_start3A_28 = tpu.memref_squeeze %dma_start3A_27 : memref<1x64xi32, #tpu.memory_space<vmem>> -> memref<64xi32, #tpu.memory_space<vmem>>
    %dma_start3A_29 = tpu.memref_slice %arg2[%add3A_17] : memref<8192xi32, #tpu.memory_space<hbm>> -> memref<64xi32, #tpu.memory_space<hbm>>
    tpu.enqueue_dma source(%dma_start3A_29 : memref<64xi32, #tpu.memory_space<hbm>>) target(%dma_start3A_28 : memref<64xi32, #tpu.memory_space<vmem>>) target_semaphore(%dma_start3A_25 : memref<!tpu.dma_semaphore, #tpu.memory_space<semaphore_mem>>)
    %add3A_30 = arith.constant 4096 : i32
    %add3A_31 = arith.addi %add3A_30, %mul3A_2 : i32
    %dma_start3A_32 = arith.constant 2 : i32
    %dma_start3A_33 = arith.constant 2 : i32
    %dma_start3A_34 = arith.constant 0 : i32
    %dma_start3A_35 = tpu.memref_slice %arg6[%dma_start3A_32, %dma_start3A_34] : memref<4x64xi32, #tpu.memory_space<vmem>> -> memref<1x64xi32, #tpu.memory_space<vmem>>
    %dma_start3A_36 = tpu.memref_squeeze %dma_start3A_35 : memref<1x64xi32, #tpu.memory_space<vmem>> -> memref<64xi32, #tpu.memory_space<vmem>>
    %dma_start3A_37 = tpu.memref_slice %arg2[%add3A_31] : memref<8192xi32, #tpu.memory_space<hbm>> -> memref<64xi32, #tpu.memory_space<hbm>>
    %dma_start3A_38 = tpu.memref_slice %arg9[%dma_start3A_33] : memref<4x!tpu.dma_semaphore, #tpu.memory_space<semaphore_mem>> -> memref<1x!tpu.dma_semaphore, #tpu.memory_space<semaphore_mem>>
    %dma_start3A_39 = tpu.memref_squeeze %dma_start3A_38 : memref<1x!tpu.dma_semaphore, #tpu.memory_space<semaphore_mem>> -> memref<!tpu.dma_semaphore, #tpu.memory_space<semaphore_mem>>
    %dma_start3A_40 = arith.constant 0 : i32
    %dma_start3A_41 = tpu.memref_slice %arg6[%dma_start3A_32, %dma_start3A_40] : memref<4x64xi32, #tpu.memory_space<vmem>> -> memref<1x64xi32, #tpu.memory_space<vmem>>
    %dma_start3A_42 = tpu.memref_squeeze %dma_start3A_41 : memref<1x64xi32, #tpu.memory_space<vmem>> -> memref<64xi32, #tpu.memory_space<vmem>>
    %dma_start3A_43 = tpu.memref_slice %arg2[%add3A_31] : memref<8192xi32, #tpu.memory_space<hbm>> -> memref<64xi32, #tpu.memory_space<hbm>>
    tpu.enqueue_dma source(%dma_start3A_43 : memref<64xi32, #tpu.memory_space<hbm>>) target(%dma_start3A_42 : memref<64xi32, #tpu.memory_space<vmem>>) target_semaphore(%dma_start3A_39 : memref<!tpu.dma_semaphore, #tpu.memory_space<semaphore_mem>>)
    %add3A_44 = arith.constant 6144 : i32
    %add3A_45 = arith.addi %add3A_44, %mul3A_2 : i32
    %dma_start3A_46 = arith.constant 3 : i32
    %dma_start3A_47 = arith.constant 3 : i32
    %dma_start3A_48 = arith.constant 0 : i32
    %dma_start3A_49 = tpu.memref_slice %arg6[%dma_start3A_46, %dma_start3A_48] : memref<4x64xi32, #tpu.memory_space<vmem>> -> memref<1x64xi32, #tpu.memory_space<vmem>>
    %dma_start3A_50 = tpu.memref_squeeze %dma_start3A_49 : memref<1x64xi32, #tpu.memory_space<vmem>> -> memref<64xi32, #tpu.memory_space<vmem>>
    %dma_start3A_51 = tpu.memref_slice %arg2[%add3A_45] : memref<8192xi32, #tpu.memory_space<hbm>> -> memref<64xi32, #tpu.memory_space<hbm>>
    %dma_start3A_52 = tpu.memref_slice %arg9[%dma_start3A_47] : memref<4x!tpu.dma_semaphore, #tpu.memory_space<semaphore_mem>> -> memref<1x!tpu.dma_semaphore, #tpu.memory_space<semaphore_mem>>
    %dma_start3A_53 = tpu.memref_squeeze %dma_start3A_52 : memref<1x!tpu.dma_semaphore, #tpu.memory_space<semaphore_mem>> -> memref<!tpu.dma_semaphore, #tpu.memory_space<semaphore_mem>>
    %dma_start3A_54 = arith.constant 0 : i32
    %dma_start3A_55 = tpu.memref_slice %arg6[%dma_start3A_46, %dma_start3A_54] : memref<4x64xi32, #tpu.memory_space<vmem>> -> memref<1x64xi32, #tpu.memory_space<vmem>>
    %dma_start3A_56 = tpu.memref_squeeze %dma_start3A_55 : memref<1x64xi32, #tpu.memory_space<vmem>> -> memref<64xi32, #tpu.memory_space<vmem>>
    %dma_start3A_57 = tpu.memref_slice %arg2[%add3A_45] : memref<8192xi32, #tpu.memory_space<hbm>> -> memref<64xi32, #tpu.memory_space<hbm>>
    tpu.enqueue_dma source(%dma_start3A_57 : memref<64xi32, #tpu.memory_space<hbm>>) target(%dma_start3A_56 : memref<64xi32, #tpu.memory_space<vmem>>) target_semaphore(%dma_start3A_53 : memref<!tpu.dma_semaphore, #tpu.memory_space<semaphore_mem>>)
    %dma_start3A_58 = arith.constant 0 : i32
    %dma_start3A_59 = tpu.memref_slice %arg4[%mul3A_2, %dma_start3A_58] : memref<2048x128xf32, #tpu.memory_space<hbm>> -> memref<64x128xf32, #tpu.memory_space<hbm>>
    %dma_start3A_60 = arith.constant 0 : i32
    %dma_start3A_61 = tpu.memref_slice %arg4[%mul3A_2, %dma_start3A_60] : memref<2048x128xf32, #tpu.memory_space<hbm>> -> memref<64x128xf32, #tpu.memory_space<hbm>>
    tpu.enqueue_dma source(%dma_start3A_61 : memref<64x128xf32, #tpu.memory_space<hbm>>) target(%arg8 : memref<64x128xf32, #tpu.memory_space<vmem>>) target_semaphore(%arg11 : memref<!tpu.dma_semaphore, #tpu.memory_space<semaphore_mem>>)
    %dma_wait3A = arith.constant 0 : i32
    %dma_wait3A_62 = arith.constant 0 : i32
    %dma_wait3A_63 = arith.constant 0 : i32
    %dma_wait3A_64 = tpu.memref_slice %arg6[%dma_wait3A, %dma_wait3A_63] : memref<4x64xi32, #tpu.memory_space<vmem>> -> memref<1x64xi32, #tpu.memory_space<vmem>>
    %dma_wait3A_65 = tpu.memref_squeeze %dma_wait3A_64 : memref<1x64xi32, #tpu.memory_space<vmem>> -> memref<64xi32, #tpu.memory_space<vmem>>
    %dma_wait3A_66 = tpu.memref_slice %arg2[%add3A_4] : memref<8192xi32, #tpu.memory_space<hbm>> -> memref<64xi32, #tpu.memory_space<hbm>>
    %dma_wait3A_67 = tpu.memref_slice %arg9[%dma_wait3A_62] : memref<4x!tpu.dma_semaphore, #tpu.memory_space<semaphore_mem>> -> memref<1x!tpu.dma_semaphore, #tpu.memory_space<semaphore_mem>>
    %dma_wait3A_68 = tpu.memref_squeeze %dma_wait3A_67 : memref<1x!tpu.dma_semaphore, #tpu.memory_space<semaphore_mem>> -> memref<!tpu.dma_semaphore, #tpu.memory_space<semaphore_mem>>
    %dma_wait3A_69 = arith.constant 0 : i32
    %dma_wait3A_70 = tpu.memref_slice %arg6[%dma_wait3A, %dma_wait3A_69] : memref<4x64xi32, #tpu.memory_space<vmem>> -> memref<1x64xi32, #tpu.memory_space<vmem>>
    %dma_wait3A_71 = tpu.memref_squeeze %dma_wait3A_70 : memref<1x64xi32, #tpu.memory_space<vmem>> -> memref<64xi32, #tpu.memory_space<vmem>>
    %dma_wait3A_72 = tpu.memref_slice %arg2[%add3A_4] : memref<8192xi32, #tpu.memory_space<hbm>> -> memref<64xi32, #tpu.memory_space<hbm>>
    tpu.wait_dma2 semaphore(%dma_wait3A_68 : memref<!tpu.dma_semaphore, #tpu.memory_space<semaphore_mem>>) src(%dma_wait3A_72 : memref<64xi32, #tpu.memory_space<hbm>>) dst(%dma_wait3A_71 : memref<64xi32, #tpu.memory_space<vmem>>)
    %dma_start3A_73 = arith.constant 0 : i32
    %dma_start3A_74 = arith.constant 0 : i32
    %dma_start3A_75 = arith.constant 0 : i32
    %dma_start3A_76 = arith.constant 0 : i32
    %dma_start3A_77 = tpu.memref_slice %arg7[%dma_start3A_75, %dma_start3A_76] : memref<256x128xf32, #tpu.memory_space<vmem>> -> memref<64x128xf32, #tpu.memory_space<vmem>>
    %dma_start3A_78 = arith.constant 0 : i32
    %dma_start3A_79 = tpu.memref_slice %arg6[%dma_start3A_73, %dma_start3A_78] : memref<4x64xi32, #tpu.memory_space<vmem>> -> memref<1x64xi32, #tpu.memory_space<vmem>>
    %dma_start3A_80 = tpu.memref_squeeze %dma_start3A_79 : memref<1x64xi32, #tpu.memory_space<vmem>> -> memref<64xi32, #tpu.memory_space<vmem>>
    %dma_start3A_81 = arith.constant 0 : i32
    %dma_start3A_82 = arith.constant 0 : i32
    %dma_start3A_83 = tpu.memref_slice %arg3[%dma_start3A_81, %dma_start3A_82] : memref<100000x128xf32, #tpu.memory_space<hbm>> -> memref<100000x128xf32, #tpu.memory_space<hbm>>
    %dma_start3A_84 = tpu.memref_slice %arg10[%dma_start3A_74] : memref<4x!tpu.dma_semaphore, #tpu.memory_space<semaphore_mem>> -> memref<1x!tpu.dma_semaphore, #tpu.memory_space<semaphore_mem>>
    %dma_start3A_85 = tpu.memref_squeeze %dma_start3A_84 : memref<1x!tpu.dma_semaphore, #tpu.memory_space<semaphore_mem>> -> memref<!tpu.dma_semaphore, #tpu.memory_space<semaphore_mem>>
    tpu.enqueue_indirect_dma source(%dma_start3A_83 : memref<100000x128xf32, #tpu.memory_space<hbm>>) target(%dma_start3A_77 : memref<64x128xf32, #tpu.memory_space<vmem>>) offsets(%dma_start3A_80 : memref<64xi32, #tpu.memory_space<vmem>>) semaphore(%dma_start3A_85 : memref<!tpu.dma_semaphore, #tpu.memory_space<semaphore_mem>>)
    %dma_wait3A_86 = arith.constant 1 : i32
    %dma_wait3A_87 = arith.constant 1 : i32
    %dma_wait3A_88 = arith.constant 0 : i32
    %dma_wait3A_89 = tpu.memref_slice %arg6[%dma_wait3A_86, %dma_wait3A_88] : memref<4x64xi32, #tpu.memory_space<vmem>> -> memref<1x64xi32, #tpu.memory_space<vmem>>
    %dma_wait3A_90 = tpu.memref_squeeze %dma_wait3A_89 : memref<1x64xi32, #tpu.memory_space<vmem>> -> memref<64xi32, #tpu.memory_space<vmem>>
    %dma_wait3A_91 = tpu.memref_slice %arg2[%add3A_17] : memref<8192xi32, #tpu.memory_space<hbm>> -> memref<64xi32, #tpu.memory_space<hbm>>
    %dma_wait3A_92 = tpu.memref_slice %arg9[%dma_wait3A_87] : memref<4x!tpu.dma_semaphore, #tpu.memory_space<semaphore_mem>> -> memref<1x!tpu.dma_semaphore, #tpu.memory_space<semaphore_mem>>
    %dma_wait3A_93 = tpu.memref_squeeze %dma_wait3A_92 : memref<1x!tpu.dma_semaphore, #tpu.memory_space<semaphore_mem>> -> memref<!tpu.dma_semaphore, #tpu.memory_space<semaphore_mem>>
    %dma_wait3A_94 = arith.constant 0 : i32
    %dma_wait3A_95 = tpu.memref_slice %arg6[%dma_wait3A_86, %dma_wait3A_94] : memref<4x64xi32, #tpu.memory_space<vmem>> -> memref<1x64xi32, #tpu.memory_space<vmem>>
    %dma_wait3A_96 = tpu.memref_squeeze %dma_wait3A_95 : memref<1x64xi32, #tpu.memory_space<vmem>> -> memref<64xi32, #tpu.memory_space<vmem>>
    %dma_wait3A_97 = tpu.memref_slice %arg2[%add3A_17] : memref<8192xi32, #tpu.memory_space<hbm>> -> memref<64xi32, #tpu.memory_space<hbm>>
    tpu.wait_dma2 semaphore(%dma_wait3A_93 : memref<!tpu.dma_semaphore, #tpu.memory_space<semaphore_mem>>) src(%dma_wait3A_97 : memref<64xi32, #tpu.memory_space<hbm>>) dst(%dma_wait3A_96 : memref<64xi32, #tpu.memory_space<vmem>>)
    %dma_start3A_98 = arith.constant 1 : i32
    %dma_start3A_99 = arith.constant 1 : i32
    %dma_start3A_100 = arith.constant 64 : i32
    %dma_start3A_101 = arith.constant 0 : i32
    %dma_start3A_102 = tpu.memref_slice %arg7[%dma_start3A_100, %dma_start3A_101] : memref<256x128xf32, #tpu.memory_space<vmem>> -> memref<64x128xf32, #tpu.memory_space<vmem>>
    %dma_start3A_103 = arith.constant 0 : i32
    %dma_start3A_104 = tpu.memref_slice %arg6[%dma_start3A_98, %dma_start3A_103] : memref<4x64xi32, #tpu.memory_space<vmem>> -> memref<1x64xi32, #tpu.memory_space<vmem>>
    %dma_start3A_105 = tpu.memref_squeeze %dma_start3A_104 : memref<1x64xi32, #tpu.memory_space<vmem>> -> memref<64xi32, #tpu.memory_space<vmem>>
    %dma_start3A_106 = arith.constant 0 : i32
    %dma_start3A_107 = arith.constant 0 : i32
    %dma_start3A_108 = tpu.memref_slice %arg3[%dma_start3A_106, %dma_start3A_107] : memref<100000x128xf32, #tpu.memory_space<hbm>> -> memref<100000x128xf32, #tpu.memory_space<hbm>>
    %dma_start3A_109 = tpu.memref_slice %arg10[%dma_start3A_99] : memref<4x!tpu.dma_semaphore, #tpu.memory_space<semaphore_mem>> -> memref<1x!tpu.dma_semaphore, #tpu.memory_space<semaphore_mem>>
    %dma_start3A_110 = tpu.memref_squeeze %dma_start3A_109 : memref<1x!tpu.dma_semaphore, #tpu.memory_space<semaphore_mem>> -> memref<!tpu.dma_semaphore, #tpu.memory_space<semaphore_mem>>
    tpu.enqueue_indirect_dma source(%dma_start3A_108 : memref<100000x128xf32, #tpu.memory_space<hbm>>) target(%dma_start3A_102 : memref<64x128xf32, #tpu.memory_space<vmem>>) offsets(%dma_start3A_105 : memref<64xi32, #tpu.memory_space<vmem>>) semaphore(%dma_start3A_110 : memref<!tpu.dma_semaphore, #tpu.memory_space<semaphore_mem>>)
    %dma_wait3A_111 = arith.constant 2 : i32
    %dma_wait3A_112 = arith.constant 2 : i32
    %dma_wait3A_113 = arith.constant 0 : i32
    %dma_wait3A_114 = tpu.memref_slice %arg6[%dma_wait3A_111, %dma_wait3A_113] : memref<4x64xi32, #tpu.memory_space<vmem>> -> memref<1x64xi32, #tpu.memory_space<vmem>>
    %dma_wait3A_115 = tpu.memref_squeeze %dma_wait3A_114 : memref<1x64xi32, #tpu.memory_space<vmem>> -> memref<64xi32, #tpu.memory_space<vmem>>
    %dma_wait3A_116 = tpu.memref_slice %arg2[%add3A_31] : memref<8192xi32, #tpu.memory_space<hbm>> -> memref<64xi32, #tpu.memory_space<hbm>>
    %dma_wait3A_117 = tpu.memref_slice %arg9[%dma_wait3A_112] : memref<4x!tpu.dma_semaphore, #tpu.memory_space<semaphore_mem>> -> memref<1x!tpu.dma_semaphore, #tpu.memory_space<semaphore_mem>>
    %dma_wait3A_118 = tpu.memref_squeeze %dma_wait3A_117 : memref<1x!tpu.dma_semaphore, #tpu.memory_space<semaphore_mem>> -> memref<!tpu.dma_semaphore, #tpu.memory_space<semaphore_mem>>
    %dma_wait3A_119 = arith.constant 0 : i32
    %dma_wait3A_120 = tpu.memref_slice %arg6[%dma_wait3A_111, %dma_wait3A_119] : memref<4x64xi32, #tpu.memory_space<vmem>> -> memref<1x64xi32, #tpu.memory_space<vmem>>
    %dma_wait3A_121 = tpu.memref_squeeze %dma_wait3A_120 : memref<1x64xi32, #tpu.memory_space<vmem>> -> memref<64xi32, #tpu.memory_space<vmem>>
    %dma_wait3A_122 = tpu.memref_slice %arg2[%add3A_31] : memref<8192xi32, #tpu.memory_space<hbm>> -> memref<64xi32, #tpu.memory_space<hbm>>
    tpu.wait_dma2 semaphore(%dma_wait3A_118 : memref<!tpu.dma_semaphore, #tpu.memory_space<semaphore_mem>>) src(%dma_wait3A_122 : memref<64xi32, #tpu.memory_space<hbm>>) dst(%dma_wait3A_121 : memref<64xi32, #tpu.memory_space<vmem>>)
    %dma_start3A_123 = arith.constant 2 : i32
    %dma_start3A_124 = arith.constant 2 : i32
    %dma_start3A_125 = arith.constant 128 : i32
    %dma_start3A_126 = arith.constant 0 : i32
    %dma_start3A_127 = tpu.memref_slice %arg7[%dma_start3A_125, %dma_start3A_126] : memref<256x128xf32, #tpu.memory_space<vmem>> -> memref<64x128xf32, #tpu.memory_space<vmem>>
    %dma_start3A_128 = arith.constant 0 : i32
    %dma_start3A_129 = tpu.memref_slice %arg6[%dma_start3A_123, %dma_start3A_128] : memref<4x64xi32, #tpu.memory_space<vmem>> -> memref<1x64xi32, #tpu.memory_space<vmem>>
    %dma_start3A_130 = tpu.memref_squeeze %dma_start3A_129 : memref<1x64xi32, #tpu.memory_space<vmem>> -> memref<64xi32, #tpu.memory_space<vmem>>
    %dma_start3A_131 = arith.constant 0 : i32
    %dma_start3A_132 = arith.constant 0 : i32
    %dma_start3A_133 = tpu.memref_slice %arg3[%dma_start3A_131, %dma_start3A_132] : memref<100000x128xf32, #tpu.memory_space<hbm>> -> memref<100000x128xf32, #tpu.memory_space<hbm>>
    %dma_start3A_134 = tpu.memref_slice %arg10[%dma_start3A_124] : memref<4x!tpu.dma_semaphore, #tpu.memory_space<semaphore_mem>> -> memref<1x!tpu.dma_semaphore, #tpu.memory_space<semaphore_mem>>
    %dma_start3A_135 = tpu.memref_squeeze %dma_start3A_134 : memref<1x!tpu.dma_semaphore, #tpu.memory_space<semaphore_mem>> -> memref<!tpu.dma_semaphore, #tpu.memory_space<semaphore_mem>>
    tpu.enqueue_indirect_dma source(%dma_start3A_133 : memref<100000x128xf32, #tpu.memory_space<hbm>>) target(%dma_start3A_127 : memref<64x128xf32, #tpu.memory_space<vmem>>) offsets(%dma_start3A_130 : memref<64xi32, #tpu.memory_space<vmem>>) semaphore(%dma_start3A_135 : memref<!tpu.dma_semaphore, #tpu.memory_space<semaphore_mem>>)
    %dma_wait3A_136 = arith.constant 3 : i32
    %dma_wait3A_137 = arith.constant 3 : i32
    %dma_wait3A_138 = arith.constant 0 : i32
    %dma_wait3A_139 = tpu.memref_slice %arg6[%dma_wait3A_136, %dma_wait3A_138] : memref<4x64xi32, #tpu.memory_space<vmem>> -> memref<1x64xi32, #tpu.memory_space<vmem>>
    %dma_wait3A_140 = tpu.memref_squeeze %dma_wait3A_139 : memref<1x64xi32, #tpu.memory_space<vmem>> -> memref<64xi32, #tpu.memory_space<vmem>>
    %dma_wait3A_141 = tpu.memref_slice %arg2[%add3A_45] : memref<8192xi32, #tpu.memory_space<hbm>> -> memref<64xi32, #tpu.memory_space<hbm>>
    %dma_wait3A_142 = tpu.memref_slice %arg9[%dma_wait3A_137] : memref<4x!tpu.dma_semaphore, #tpu.memory_space<semaphore_mem>> -> memref<1x!tpu.dma_semaphore, #tpu.memory_space<semaphore_mem>>
    %dma_wait3A_143 = tpu.memref_squeeze %dma_wait3A_142 : memref<1x!tpu.dma_semaphore, #tpu.memory_space<semaphore_mem>> -> memref<!tpu.dma_semaphore, #tpu.memory_space<semaphore_mem>>
    %dma_wait3A_144 = arith.constant 0 : i32
    %dma_wait3A_145 = tpu.memref_slice %arg6[%dma_wait3A_136, %dma_wait3A_144] : memref<4x64xi32, #tpu.memory_space<vmem>> -> memref<1x64xi32, #tpu.memory_space<vmem>>
    %dma_wait3A_146 = tpu.memref_squeeze %dma_wait3A_145 : memref<1x64xi32, #tpu.memory_space<vmem>> -> memref<64xi32, #tpu.memory_space<vmem>>
    %dma_wait3A_147 = tpu.memref_slice %arg2[%add3A_45] : memref<8192xi32, #tpu.memory_space<hbm>> -> memref<64xi32, #tpu.memory_space<hbm>>
    tpu.wait_dma2 semaphore(%dma_wait3A_143 : memref<!tpu.dma_semaphore, #tpu.memory_space<semaphore_mem>>) src(%dma_wait3A_147 : memref<64xi32, #tpu.memory_space<hbm>>) dst(%dma_wait3A_146 : memref<64xi32, #tpu.memory_space<vmem>>)
    %dma_start3A_148 = arith.constant 3 : i32
    %dma_start3A_149 = arith.constant 3 : i32
    %dma_start3A_150 = arith.constant 192 : i32
    %dma_start3A_151 = arith.constant 0 : i32
    %dma_start3A_152 = tpu.memref_slice %arg7[%dma_start3A_150, %dma_start3A_151] : memref<256x128xf32, #tpu.memory_space<vmem>> -> memref<64x128xf32, #tpu.memory_space<vmem>>
    %dma_start3A_153 = arith.constant 0 : i32
    %dma_start3A_154 = tpu.memref_slice %arg6[%dma_start3A_148, %dma_start3A_153] : memref<4x64xi32, #tpu.memory_space<vmem>> -> memref<1x64xi32, #tpu.memory_space<vmem>>
    %dma_start3A_155 = tpu.memref_squeeze %dma_start3A_154 : memref<1x64xi32, #tpu.memory_space<vmem>> -> memref<64xi32, #tpu.memory_space<vmem>>
    %dma_start3A_156 = arith.constant 0 : i32
    %dma_start3A_157 = arith.constant 0 : i32
    %dma_start3A_158 = tpu.memref_slice %arg3[%dma_start3A_156, %dma_start3A_157] : memref<100000x128xf32, #tpu.memory_space<hbm>> -> memref<100000x128xf32, #tpu.memory_space<hbm>>
    %dma_start3A_159 = tpu.memref_slice %arg10[%dma_start3A_149] : memref<4x!tpu.dma_semaphore, #tpu.memory_space<semaphore_mem>> -> memref<1x!tpu.dma_semaphore, #tpu.memory_space<semaphore_mem>>
    %dma_start3A_160 = tpu.memref_squeeze %dma_start3A_159 : memref<1x!tpu.dma_semaphore, #tpu.memory_space<semaphore_mem>> -> memref<!tpu.dma_semaphore, #tpu.memory_space<semaphore_mem>>
    tpu.enqueue_indirect_dma source(%dma_start3A_158 : memref<100000x128xf32, #tpu.memory_space<hbm>>) target(%dma_start3A_152 : memref<64x128xf32, #tpu.memory_space<vmem>>) offsets(%dma_start3A_155 : memref<64xi32, #tpu.memory_space<vmem>>) semaphore(%dma_start3A_160 : memref<!tpu.dma_semaphore, #tpu.memory_space<semaphore_mem>>)
    %dma_wait3A_161 = arith.constant 0 : i32
    %dma_wait3A_162 = tpu.memref_slice %arg4[%mul3A_2, %dma_wait3A_161] : memref<2048x128xf32, #tpu.memory_space<hbm>> -> memref<64x128xf32, #tpu.memory_space<hbm>>
    %dma_wait3A_163 = arith.constant 0 : i32
    %dma_wait3A_164 = tpu.memref_slice %arg4[%mul3A_2, %dma_wait3A_163] : memref<2048x128xf32, #tpu.memory_space<hbm>> -> memref<64x128xf32, #tpu.memory_space<hbm>>
    tpu.wait_dma2 semaphore(%arg11 : memref<!tpu.dma_semaphore, #tpu.memory_space<semaphore_mem>>) src(%dma_wait3A_164 : memref<64x128xf32, #tpu.memory_space<hbm>>) dst(%arg8 : memref<64x128xf32, #tpu.memory_space<vmem>>)
    %dma_wait3A_165 = arith.constant 0 : i32
    %dma_wait3A_166 = arith.constant 0 : i32
    %dma_wait3A_167 = arith.constant 0 : i32
    %dma_wait3A_168 = arith.constant 0 : i32
    %dma_wait3A_169 = tpu.memref_slice %arg7[%dma_wait3A_167, %dma_wait3A_168] : memref<256x128xf32, #tpu.memory_space<vmem>> -> memref<64x128xf32, #tpu.memory_space<vmem>>
    %dma_wait3A_170 = arith.constant 0 : i32
    %dma_wait3A_171 = tpu.memref_slice %arg6[%dma_wait3A_165, %dma_wait3A_170] : memref<4x64xi32, #tpu.memory_space<vmem>> -> memref<1x64xi32, #tpu.memory_space<vmem>>
    %dma_wait3A_172 = tpu.memref_squeeze %dma_wait3A_171 : memref<1x64xi32, #tpu.memory_space<vmem>> -> memref<64xi32, #tpu.memory_space<vmem>>
    %dma_wait3A_173 = arith.constant 0 : i32
    %dma_wait3A_174 = arith.constant 0 : i32
    %dma_wait3A_175 = tpu.memref_slice %arg3[%dma_wait3A_173, %dma_wait3A_174] : memref<100000x128xf32, #tpu.memory_space<hbm>> -> memref<100000x128xf32, #tpu.memory_space<hbm>>
    %dma_wait3A_176 = tpu.memref_slice %arg10[%dma_wait3A_166] : memref<4x!tpu.dma_semaphore, #tpu.memory_space<semaphore_mem>> -> memref<1x!tpu.dma_semaphore, #tpu.memory_space<semaphore_mem>>
    %dma_wait3A_177 = tpu.memref_squeeze %dma_wait3A_176 : memref<1x!tpu.dma_semaphore, #tpu.memory_space<semaphore_mem>> -> memref<!tpu.dma_semaphore, #tpu.memory_space<semaphore_mem>>
    tpu.wait_indirect_dma semaphore(%dma_wait3A_177 : memref<!tpu.dma_semaphore, #tpu.memory_space<semaphore_mem>>) src(%dma_wait3A_175 : memref<100000x128xf32, #tpu.memory_space<hbm>>) dst(%dma_wait3A_169 : memref<64x128xf32, #tpu.memory_space<vmem>>)
    %parallel_loop3A = arith.constant 0 : i32
    %parallel_loop3A_178 = arith.constant 64 : i32
    %parallel_loop3A_179 = arith.constant 1 : i32
    scf.for %parallel_loop3A_340 = %parallel_loop3A to %parallel_loop3A_178 step %parallel_loop3A_179  : i32 {
      %parallel_loop3A_341 = arith.constant 0 : i32
      %parallel_loop3A_342 = arith.addi %parallel_loop3A_341, %parallel_loop3A_340 : i32
      %parallel_loop3A_343 = arith.index_cast %parallel_loop3A_340 : i32 to index
      %parallel_loop3A_344 = arith.constant 0 : index
      %parallel_loop3A_345 = tpu.vector_load %arg8[%parallel_loop3A_343, %parallel_loop3A_344] {strides = array<i32>} : memref<64x128xf32, #tpu.memory_space<vmem>>, vector<1x16xf32>,
      %parallel_loop3A_346 = vector.shape_cast %parallel_loop3A_345 : vector<1x16xf32> to vector<16xf32>
      %parallel_loop3A_347 = arith.index_cast %parallel_loop3A_342 : i32 to index
      %parallel_loop3A_348 = arith.constant 0 : index
      %parallel_loop3A_349 = tpu.vector_load %arg7[%parallel_loop3A_347, %parallel_loop3A_348] {strides = array<i32>} : memref<256x128xf32, #tpu.memory_space<vmem>>, vector<1x16xf32>,
      %parallel_loop3A_350 = vector.shape_cast %parallel_loop3A_349 : vector<1x16xf32> to vector<16xf32>
      %parallel_loop3A_351 = vector.shape_cast %parallel_loop3A_346 : vector<16xf32> to vector<1x16xf32>
      tpu.vector_store %arg7[%parallel_loop3A_347, %parallel_loop3A_348], %parallel_loop3A_351 {add = true, strides = array<i32>} : memref<256x128xf32, #tpu.memory_space<vmem>>, vector<1x16xf32>,
      %parallel_loop3A_352 = arith.index_cast %parallel_loop3A_340 : i32 to index
      %parallel_loop3A_353 = arith.constant 16 : index
      %parallel_loop3A_354 = tpu.vector_load %arg8[%parallel_loop3A_352, %parallel_loop3A_353] {strides = array<i32>} : memref<64x128xf32, #tpu.memory_space<vmem>>, vector<1x16xf32>,
      %parallel_loop3A_355 = vector.shape_cast %parallel_loop3A_354 : vector<1x16xf32> to vector<16xf32>
      %parallel_loop3A_356 = arith.index_cast %parallel_loop3A_342 : i32 to index
      %parallel_loop3A_357 = arith.constant 16 : index
      %parallel_loop3A_358 = tpu.vector_load %arg7[%parallel_loop3A_356, %parallel_loop3A_357] {strides = array<i32>} : memref<256x128xf32, #tpu.memory_space<vmem>>, vector<1x16xf32>,
      %parallel_loop3A_359 = vector.shape_cast %parallel_loop3A_358 : vector<1x16xf32> to vector<16xf32>
      %parallel_loop3A_360 = vector.shape_cast %parallel_loop3A_355 : vector<16xf32> to vector<1x16xf32>
      tpu.vector_store %arg7[%parallel_loop3A_356, %parallel_loop3A_357], %parallel_loop3A_360 {add = true, strides = array<i32>} : memref<256x128xf32, #tpu.memory_space<vmem>>, vector<1x16xf32>,
      %parallel_loop3A_361 = arith.index_cast %parallel_loop3A_340 : i32 to index
      %parallel_loop3A_362 = arith.constant 32 : index
      %parallel_loop3A_363 = tpu.vector_load %arg8[%parallel_loop3A_361, %parallel_loop3A_362] {strides = array<i32>} : memref<64x128xf32, #tpu.memory_space<vmem>>, vector<1x16xf32>,
      %parallel_loop3A_364 = vector.shape_cast %parallel_loop3A_363 : vector<1x16xf32> to vector<16xf32>
      %parallel_loop3A_365 = arith.index_cast %parallel_loop3A_342 : i32 to index
      %parallel_loop3A_366 = arith.constant 32 : index
      %parallel_loop3A_367 = tpu.vector_load %arg7[%parallel_loop3A_365, %parallel_loop3A_366] {strides = array<i32>} : memref<256x128xf32, #tpu.memory_space<vmem>>, vector<1x16xf32>,
      %parallel_loop3A_368 = vector.shape_cast %parallel_loop3A_367 : vector<1x16xf32> to vector<16xf32>
      %parallel_loop3A_369 = vector.shape_cast %parallel_loop3A_364 : vector<16xf32> to vector<1x16xf32>
      tpu.vector_store %arg7[%parallel_loop3A_365, %parallel_loop3A_366], %parallel_loop3A_369 {add = true, strides = array<i32>} : memref<256x128xf32, #tpu.memory_space<vmem>>, vector<1x16xf32>,
      %parallel_loop3A_370 = arith.index_cast %parallel_loop3A_340 : i32 to index
      %parallel_loop3A_371 = arith.constant 48 : index
      %parallel_loop3A_372 = tpu.vector_load %arg8[%parallel_loop3A_370, %parallel_loop3A_371] {strides = array<i32>} : memref<64x128xf32, #tpu.memory_space<vmem>>, vector<1x16xf32>,
      %parallel_loop3A_373 = vector.shape_cast %parallel_loop3A_372 : vector<1x16xf32> to vector<16xf32>
      %parallel_loop3A_374 = arith.index_cast %parallel_loop3A_342 : i32 to index
      %parallel_loop3A_375 = arith.constant 48 : index
      %parallel_loop3A_376 = tpu.vector_load %arg7[%parallel_loop3A_374, %parallel_loop3A_375] {strides = array<i32>} : memref<256x128xf32, #tpu.memory_space<vmem>>, vector<1x16xf32>,
      %parallel_loop3A_377 = vector.shape_cast %parallel_loop3A_376 : vector<1x16xf32> to vector<16xf32>
      %parallel_loop3A_378 = vector.shape_cast %parallel_loop3A_373 : vector<16xf32> to vector<1x16xf32>
      tpu.vector_store %arg7[%parallel_loop3A_374, %parallel_loop3A_375], %parallel_loop3A_378 {add = true, strides = array<i32>} : memref<256x128xf32, #tpu.memory_space<vmem>>, vector<1x16xf32>,
      %parallel_loop3A_379 = arith.index_cast %parallel_loop3A_340 : i32 to index
      %parallel_loop3A_380 = arith.constant 64 : index
      %parallel_loop3A_381 = tpu.vector_load %arg8[%parallel_loop3A_379, %parallel_loop3A_380] {strides = array<i32>} : memref<64x128xf32, #tpu.memory_space<vmem>>, vector<1x16xf32>,
      %parallel_loop3A_382 = vector.shape_cast %parallel_loop3A_381 : vector<1x16xf32> to vector<16xf32>
      %parallel_loop3A_383 = arith.index_cast %parallel_loop3A_342 : i32 to index
      %parallel_loop3A_384 = arith.constant 64 : index
      %parallel_loop3A_385 = tpu.vector_load %arg7[%parallel_loop3A_383, %parallel_loop3A_384] {strides = array<i32>} : memref<256x128xf32, #tpu.memory_space<vmem>>, vector<1x16xf32>,
      %parallel_loop3A_386 = vector.shape_cast %parallel_loop3A_385 : vector<1x16xf32> to vector<16xf32>
      %parallel_loop3A_387 = vector.shape_cast %parallel_loop3A_382 : vector<16xf32> to vector<1x16xf32>
      tpu.vector_store %arg7[%parallel_loop3A_383, %parallel_loop3A_384], %parallel_loop3A_387 {add = true, strides = array<i32>} : memref<256x128xf32, #tpu.memory_space<vmem>>, vector<1x16xf32>,
      %parallel_loop3A_388 = arith.index_cast %parallel_loop3A_340 : i32 to index
      %parallel_loop3A_389 = arith.constant 80 : index
      %parallel_loop3A_390 = tpu.vector_load %arg8[%parallel_loop3A_388, %parallel_loop3A_389] {strides = array<i32>} : memref<64x128xf32, #tpu.memory_space<vmem>>, vector<1x16xf32>,
      %parallel_loop3A_391 = vector.shape_cast %parallel_loop3A_390 : vector<1x16xf32> to vector<16xf32>
      %parallel_loop3A_392 = arith.index_cast %parallel_loop3A_342 : i32 to index
      %parallel_loop3A_393 = arith.constant 80 : index
      %parallel_loop3A_394 = tpu.vector_load %arg7[%parallel_loop3A_392, %parallel_loop3A_393] {strides = array<i32>} : memref<256x128xf32, #tpu.memory_space<vmem>>, vector<1x16xf32>,
      %parallel_loop3A_395 = vector.shape_cast %parallel_loop3A_394 : vector<1x16xf32> to vector<16xf32>
      %parallel_loop3A_396 = vector.shape_cast %parallel_loop3A_391 : vector<16xf32> to vector<1x16xf32>
      tpu.vector_store %arg7[%parallel_loop3A_392, %parallel_loop3A_393], %parallel_loop3A_396 {add = true, strides = array<i32>} : memref<256x128xf32, #tpu.memory_space<vmem>>, vector<1x16xf32>,
      %parallel_loop3A_397 = arith.index_cast %parallel_loop3A_340 : i32 to index
      %parallel_loop3A_398 = arith.constant 96 : index
      %parallel_loop3A_399 = tpu.vector_load %arg8[%parallel_loop3A_397, %parallel_loop3A_398] {strides = array<i32>} : memref<64x128xf32, #tpu.memory_space<vmem>>, vector<1x16xf32>,
      %parallel_loop3A_400 = vector.shape_cast %parallel_loop3A_399 : vector<1x16xf32> to vector<16xf32>
      %parallel_loop3A_401 = arith.index_cast %parallel_loop3A_342 : i32 to index
      %parallel_loop3A_402 = arith.constant 96 : index
      %parallel_loop3A_403 = tpu.vector_load %arg7[%parallel_loop3A_401, %parallel_loop3A_402] {strides = array<i32>} : memref<256x128xf32, #tpu.memory_space<vmem>>, vector<1x16xf32>,
      %parallel_loop3A_404 = vector.shape_cast %parallel_loop3A_403 : vector<1x16xf32> to vector<16xf32>
      %parallel_loop3A_405 = vector.shape_cast %parallel_loop3A_400 : vector<16xf32> to vector<1x16xf32>
      tpu.vector_store %arg7[%parallel_loop3A_401, %parallel_loop3A_402], %parallel_loop3A_405 {add = true, strides = array<i32>} : memref<256x128xf32, #tpu.memory_space<vmem>>, vector<1x16xf32>,
      %parallel_loop3A_406 = arith.index_cast %parallel_loop3A_340 : i32 to index
      %parallel_loop3A_407 = arith.constant 112 : index
      %parallel_loop3A_408 = tpu.vector_load %arg8[%parallel_loop3A_406, %parallel_loop3A_407] {strides = array<i32>} : memref<64x128xf32, #tpu.memory_space<vmem>>, vector<1x16xf32>,
      %parallel_loop3A_409 = vector.shape_cast %parallel_loop3A_408 : vector<1x16xf32> to vector<16xf32>
      %parallel_loop3A_410 = arith.index_cast %parallel_loop3A_342 : i32 to index
      %parallel_loop3A_411 = arith.constant 112 : index
      %parallel_loop3A_412 = tpu.vector_load %arg7[%parallel_loop3A_410, %parallel_loop3A_411] {strides = array<i32>} : memref<256x128xf32, #tpu.memory_space<vmem>>, vector<1x16xf32>,
      %parallel_loop3A_413 = vector.shape_cast %parallel_loop3A_412 : vector<1x16xf32> to vector<16xf32>
      %parallel_loop3A_414 = vector.shape_cast %parallel_loop3A_409 : vector<16xf32> to vector<1x16xf32>
      tpu.vector_store %arg7[%parallel_loop3A_410, %parallel_loop3A_411], %parallel_loop3A_414 {add = true, strides = array<i32>} : memref<256x128xf32, #tpu.memory_space<vmem>>, vector<1x16xf32>,
    } {sc.loop_unroll_factor = 1 : i64, sc.parallel_access}
    %add3A_180 = arith.constant 0 : i32
    %add3A_181 = arith.addi %add3A_180, %mul3A_2 : i32
    %dma_start3A_182 = arith.constant 0 : i32
    %dma_start3A_183 = arith.constant 0 : i32
    %dma_start3A_184 = arith.constant 0 : i32
    %dma_start3A_185 = tpu.memref_slice %arg7[%dma_start3A_183, %dma_start3A_184] : memref<256x128xf32, #tpu.memory_space<vmem>> -> memref<64x128xf32, #tpu.memory_space<vmem>>
    %dma_start3A_186 = arith.constant 0 : i32
    %dma_start3A_187 = tpu.memref_slice %arg5[%add3A_181, %dma_start3A_186] : memref<8192x128xf32, #tpu.memory_space<hbm>> -> memref<64x128xf32, #tpu.memory_space<hbm>>
    %dma_start3A_188 = tpu.memref_slice %arg12[%dma_start3A_182] : memref<4x!tpu.dma_semaphore, #tpu.memory_space<semaphore_mem>> -> memref<1x!tpu.dma_semaphore, #tpu.memory_space<semaphore_mem>>
    %dma_start3A_189 = tpu.memref_squeeze %dma_start3A_188 : memref<1x!tpu.dma_semaphore, #tpu.memory_space<semaphore_mem>> -> memref<!tpu.dma_semaphore, #tpu.memory_space<semaphore_mem>>
    %dma_start3A_190 = arith.constant 0 : i32
    %dma_start3A_191 = tpu.memref_slice %arg5[%add3A_181, %dma_start3A_190] : memref<8192x128xf32, #tpu.memory_space<hbm>> -> memref<64x128xf32, #tpu.memory_space<hbm>>
    %dma_start3A_192 = arith.constant 0 : i32
    %dma_start3A_193 = arith.constant 0 : i32
    %dma_start3A_194 = tpu.memref_slice %arg7[%dma_start3A_192, %dma_start3A_193] : memref<256x128xf32, #tpu.memory_space<vmem>> -> memref<64x128xf32, #tpu.memory_space<vmem>>
    tpu.enqueue_dma source(%dma_start3A_194 : memref<64x128xf32, #tpu.memory_space<vmem>>) target(%dma_start3A_191 : memref<64x128xf32, #tpu.memory_space<hbm>>) target_semaphore(%dma_start3A_189 : memref<!tpu.dma_semaphore, #tpu.memory_space<semaphore_mem>>)
    %dma_wait3A_195 = arith.constant 1 : i32
    %dma_wait3A_196 = arith.constant 1 : i32
    %dma_wait3A_197 = arith.constant 64 : i32
    %dma_wait3A_198 = arith.constant 0 : i32
    %dma_wait3A_199 = tpu.memref_slice %arg7[%dma_wait3A_197, %dma_wait3A_198] : memref<256x128xf32, #tpu.memory_space<vmem>> -> memref<64x128xf32, #tpu.memory_space<vmem>>
    %dma_wait3A_200 = arith.constant 0 : i32
    %dma_wait3A_201 = tpu.memref_slice %arg6[%dma_wait3A_195, %dma_wait3A_200] : memref<4x64xi32, #tpu.memory_space<vmem>> -> memref<1x64xi32, #tpu.memory_space<vmem>>
    %dma_wait3A_202 = tpu.memref_squeeze %dma_wait3A_201 : memref<1x64xi32, #tpu.memory_space<vmem>> -> memref<64xi32, #tpu.memory_space<vmem>>
    %dma_wait3A_203 = arith.constant 0 : i32
    %dma_wait3A_204 = arith.constant 0 : i32
    %dma_wait3A_205 = tpu.memref_slice %arg3[%dma_wait3A_203, %dma_wait3A_204] : memref<100000x128xf32, #tpu.memory_space<hbm>> -> memref<100000x128xf32, #tpu.memory_space<hbm>>
    %dma_wait3A_206 = tpu.memref_slice %arg10[%dma_wait3A_196] : memref<4x!tpu.dma_semaphore, #tpu.memory_space<semaphore_mem>> -> memref<1x!tpu.dma_semaphore, #tpu.memory_space<semaphore_mem>>
    %dma_wait3A_207 = tpu.memref_squeeze %dma_wait3A_206 : memref<1x!tpu.dma_semaphore, #tpu.memory_space<semaphore_mem>> -> memref<!tpu.dma_semaphore, #tpu.memory_space<semaphore_mem>>
    tpu.wait_indirect_dma semaphore(%dma_wait3A_207 : memref<!tpu.dma_semaphore, #tpu.memory_space<semaphore_mem>>) src(%dma_wait3A_205 : memref<100000x128xf32, #tpu.memory_space<hbm>>) dst(%dma_wait3A_199 : memref<64x128xf32, #tpu.memory_space<vmem>>)
    %parallel_loop3A_208 = arith.constant 0 : i32
    %parallel_loop3A_209 = arith.constant 64 : i32
    %parallel_loop3A_210 = arith.constant 1 : i32
    scf.for %parallel_loop3A_340 = %parallel_loop3A_208 to %parallel_loop3A_209 step %parallel_loop3A_210  : i32 {
      %parallel_loop3A_341 = arith.constant 64 : i32
      %parallel_loop3A_342 = arith.addi %parallel_loop3A_341, %parallel_loop3A_340 : i32
      %parallel_loop3A_343 = arith.index_cast %parallel_loop3A_340 : i32 to index
      %parallel_loop3A_344 = arith.constant 0 : index
      %parallel_loop3A_345 = tpu.vector_load %arg8[%parallel_loop3A_343, %parallel_loop3A_344] {strides = array<i32>} : memref<64x128xf32, #tpu.memory_space<vmem>>, vector<1x16xf32>,
      %parallel_loop3A_346 = vector.shape_cast %parallel_loop3A_345 : vector<1x16xf32> to vector<16xf32>
      %parallel_loop3A_347 = arith.index_cast %parallel_loop3A_342 : i32 to index
      %parallel_loop3A_348 = arith.constant 0 : index
      %parallel_loop3A_349 = tpu.vector_load %arg7[%parallel_loop3A_347, %parallel_loop3A_348] {strides = array<i32>} : memref<256x128xf32, #tpu.memory_space<vmem>>, vector<1x16xf32>,
      %parallel_loop3A_350 = vector.shape_cast %parallel_loop3A_349 : vector<1x16xf32> to vector<16xf32>
      %parallel_loop3A_351 = vector.shape_cast %parallel_loop3A_346 : vector<16xf32> to vector<1x16xf32>
      tpu.vector_store %arg7[%parallel_loop3A_347, %parallel_loop3A_348], %parallel_loop3A_351 {add = true, strides = array<i32>} : memref<256x128xf32, #tpu.memory_space<vmem>>, vector<1x16xf32>,
      %parallel_loop3A_352 = arith.index_cast %parallel_loop3A_340 : i32 to index
      %parallel_loop3A_353 = arith.constant 16 : index
      %parallel_loop3A_354 = tpu.vector_load %arg8[%parallel_loop3A_352, %parallel_loop3A_353] {strides = array<i32>} : memref<64x128xf32, #tpu.memory_space<vmem>>, vector<1x16xf32>,
      %parallel_loop3A_355 = vector.shape_cast %parallel_loop3A_354 : vector<1x16xf32> to vector<16xf32>
      %parallel_loop3A_356 = arith.index_cast %parallel_loop3A_342 : i32 to index
      %parallel_loop3A_357 = arith.constant 16 : index
      %parallel_loop3A_358 = tpu.vector_load %arg7[%parallel_loop3A_356, %parallel_loop3A_357] {strides = array<i32>} : memref<256x128xf32, #tpu.memory_space<vmem>>, vector<1x16xf32>,
      %parallel_loop3A_359 = vector.shape_cast %parallel_loop3A_358 : vector<1x16xf32> to vector<16xf32>
      %parallel_loop3A_360 = vector.shape_cast %parallel_loop3A_355 : vector<16xf32> to vector<1x16xf32>
      tpu.vector_store %arg7[%parallel_loop3A_356, %parallel_loop3A_357], %parallel_loop3A_360 {add = true, strides = array<i32>} : memref<256x128xf32, #tpu.memory_space<vmem>>, vector<1x16xf32>,
      %parallel_loop3A_361 = arith.index_cast %parallel_loop3A_340 : i32 to index
      %parallel_loop3A_362 = arith.constant 32 : index
      %parallel_loop3A_363 = tpu.vector_load %arg8[%parallel_loop3A_361, %parallel_loop3A_362] {strides = array<i32>} : memref<64x128xf32, #tpu.memory_space<vmem>>, vector<1x16xf32>,
      %parallel_loop3A_364 = vector.shape_cast %parallel_loop3A_363 : vector<1x16xf32> to vector<16xf32>
      %parallel_loop3A_365 = arith.index_cast %parallel_loop3A_342 : i32 to index
      %parallel_loop3A_366 = arith.constant 32 : index
      %parallel_loop3A_367 = tpu.vector_load %arg7[%parallel_loop3A_365, %parallel_loop3A_366] {strides = array<i32>} : memref<256x128xf32, #tpu.memory_space<vmem>>, vector<1x16xf32>,
      %parallel_loop3A_368 = vector.shape_cast %parallel_loop3A_367 : vector<1x16xf32> to vector<16xf32>
      %parallel_loop3A_369 = vector.shape_cast %parallel_loop3A_364 : vector<16xf32> to vector<1x16xf32>
      tpu.vector_store %arg7[%parallel_loop3A_365, %parallel_loop3A_366], %parallel_loop3A_369 {add = true, strides = array<i32>} : memref<256x128xf32, #tpu.memory_space<vmem>>, vector<1x16xf32>,
      %parallel_loop3A_370 = arith.index_cast %parallel_loop3A_340 : i32 to index
      %parallel_loop3A_371 = arith.constant 48 : index
      %parallel_loop3A_372 = tpu.vector_load %arg8[%parallel_loop3A_370, %parallel_loop3A_371] {strides = array<i32>} : memref<64x128xf32, #tpu.memory_space<vmem>>, vector<1x16xf32>,
      %parallel_loop3A_373 = vector.shape_cast %parallel_loop3A_372 : vector<1x16xf32> to vector<16xf32>
      %parallel_loop3A_374 = arith.index_cast %parallel_loop3A_342 : i32 to index
      %parallel_loop3A_375 = arith.constant 48 : index
      %parallel_loop3A_376 = tpu.vector_load %arg7[%parallel_loop3A_374, %parallel_loop3A_375] {strides = array<i32>} : memref<256x128xf32, #tpu.memory_space<vmem>>, vector<1x16xf32>,
      %parallel_loop3A_377 = vector.shape_cast %parallel_loop3A_376 : vector<1x16xf32> to vector<16xf32>
      %parallel_loop3A_378 = vector.shape_cast %parallel_loop3A_373 : vector<16xf32> to vector<1x16xf32>
      tpu.vector_store %arg7[%parallel_loop3A_374, %parallel_loop3A_375], %parallel_loop3A_378 {add = true, strides = array<i32>} : memref<256x128xf32, #tpu.memory_space<vmem>>, vector<1x16xf32>,
      %parallel_loop3A_379 = arith.index_cast %parallel_loop3A_340 : i32 to index
      %parallel_loop3A_380 = arith.constant 64 : index
      %parallel_loop3A_381 = tpu.vector_load %arg8[%parallel_loop3A_379, %parallel_loop3A_380] {strides = array<i32>} : memref<64x128xf32, #tpu.memory_space<vmem>>, vector<1x16xf32>,
      %parallel_loop3A_382 = vector.shape_cast %parallel_loop3A_381 : vector<1x16xf32> to vector<16xf32>
      %parallel_loop3A_383 = arith.index_cast %parallel_loop3A_342 : i32 to index
      %parallel_loop3A_384 = arith.constant 64 : index
      %parallel_loop3A_385 = tpu.vector_load %arg7[%parallel_loop3A_383, %parallel_loop3A_384] {strides = array<i32>} : memref<256x128xf32, #tpu.memory_space<vmem>>, vector<1x16xf32>,
      %parallel_loop3A_386 = vector.shape_cast %parallel_loop3A_385 : vector<1x16xf32> to vector<16xf32>
      %parallel_loop3A_387 = vector.shape_cast %parallel_loop3A_382 : vector<16xf32> to vector<1x16xf32>
      tpu.vector_store %arg7[%parallel_loop3A_383, %parallel_loop3A_384], %parallel_loop3A_387 {add = true, strides = array<i32>} : memref<256x128xf32, #tpu.memory_space<vmem>>, vector<1x16xf32>,
      %parallel_loop3A_388 = arith.index_cast %parallel_loop3A_340 : i32 to index
      %parallel_loop3A_389 = arith.constant 80 : index
      %parallel_loop3A_390 = tpu.vector_load %arg8[%parallel_loop3A_388, %parallel_loop3A_389] {strides = array<i32>} : memref<64x128xf32, #tpu.memory_space<vmem>>, vector<1x16xf32>,
      %parallel_loop3A_391 = vector.shape_cast %parallel_loop3A_390 : vector<1x16xf32> to vector<16xf32>
      %parallel_loop3A_392 = arith.index_cast %parallel_loop3A_342 : i32 to index
      %parallel_loop3A_393 = arith.constant 80 : index
      %parallel_loop3A_394 = tpu.vector_load %arg7[%parallel_loop3A_392, %parallel_loop3A_393] {strides = array<i32>} : memref<256x128xf32, #tpu.memory_space<vmem>>, vector<1x16xf32>,
      %parallel_loop3A_395 = vector.shape_cast %parallel_loop3A_394 : vector<1x16xf32> to vector<16xf32>
      %parallel_loop3A_396 = vector.shape_cast %parallel_loop3A_391 : vector<16xf32> to vector<1x16xf32>
      tpu.vector_store %arg7[%parallel_loop3A_392, %parallel_loop3A_393], %parallel_loop3A_396 {add = true, strides = array<i32>} : memref<256x128xf32, #tpu.memory_space<vmem>>, vector<1x16xf32>,
      %parallel_loop3A_397 = arith.index_cast %parallel_loop3A_340 : i32 to index
      %parallel_loop3A_398 = arith.constant 96 : index
      %parallel_loop3A_399 = tpu.vector_load %arg8[%parallel_loop3A_397, %parallel_loop3A_398] {strides = array<i32>} : memref<64x128xf32, #tpu.memory_space<vmem>>, vector<1x16xf32>,
      %parallel_loop3A_400 = vector.shape_cast %parallel_loop3A_399 : vector<1x16xf32> to vector<16xf32>
      %parallel_loop3A_401 = arith.index_cast %parallel_loop3A_342 : i32 to index
      %parallel_loop3A_402 = arith.constant 96 : index
      %parallel_loop3A_403 = tpu.vector_load %arg7[%parallel_loop3A_401, %parallel_loop3A_402] {strides = array<i32>} : memref<256x128xf32, #tpu.memory_space<vmem>>, vector<1x16xf32>,
      %parallel_loop3A_404 = vector.shape_cast %parallel_loop3A_403 : vector<1x16xf32> to vector<16xf32>
      %parallel_loop3A_405 = vector.shape_cast %parallel_loop3A_400 : vector<16xf32> to vector<1x16xf32>
      tpu.vector_store %arg7[%parallel_loop3A_401, %parallel_loop3A_402], %parallel_loop3A_405 {add = true, strides = array<i32>} : memref<256x128xf32, #tpu.memory_space<vmem>>, vector<1x16xf32>,
      %parallel_loop3A_406 = arith.index_cast %parallel_loop3A_340 : i32 to index
      %parallel_loop3A_407 = arith.constant 112 : index
      %parallel_loop3A_408 = tpu.vector_load %arg8[%parallel_loop3A_406, %parallel_loop3A_407] {strides = array<i32>} : memref<64x128xf32, #tpu.memory_space<vmem>>, vector<1x16xf32>,
      %parallel_loop3A_409 = vector.shape_cast %parallel_loop3A_408 : vector<1x16xf32> to vector<16xf32>
      %parallel_loop3A_410 = arith.index_cast %parallel_loop3A_342 : i32 to index
      %parallel_loop3A_411 = arith.constant 112 : index
      %parallel_loop3A_412 = tpu.vector_load %arg7[%parallel_loop3A_410, %parallel_loop3A_411] {strides = array<i32>} : memref<256x128xf32, #tpu.memory_space<vmem>>, vector<1x16xf32>,
      %parallel_loop3A_413 = vector.shape_cast %parallel_loop3A_412 : vector<1x16xf32> to vector<16xf32>
      %parallel_loop3A_414 = vector.shape_cast %parallel_loop3A_409 : vector<16xf32> to vector<1x16xf32>
      tpu.vector_store %arg7[%parallel_loop3A_410, %parallel_loop3A_411], %parallel_loop3A_414 {add = true, strides = array<i32>} : memref<256x128xf32, #tpu.memory_space<vmem>>, vector<1x16xf32>,
    } {sc.loop_unroll_factor = 1 : i64, sc.parallel_access}
    %add3A_211 = arith.constant 2048 : i32
    %add3A_212 = arith.addi %add3A_211, %mul3A_2 : i32
    %dma_start3A_213 = arith.constant 1 : i32
    %dma_start3A_214 = arith.constant 64 : i32
    %dma_start3A_215 = arith.constant 0 : i32
    %dma_start3A_216 = tpu.memref_slice %arg7[%dma_start3A_214, %dma_start3A_215] : memref<256x128xf32, #tpu.memory_space<vmem>> -> memref<64x128xf32, #tpu.memory_space<vmem>>
    %dma_start3A_217 = arith.constant 0 : i32
    %dma_start3A_218 = tpu.memref_slice %arg5[%add3A_212, %dma_start3A_217] : memref<8192x128xf32, #tpu.memory_space<hbm>> -> memref<64x128xf32, #tpu.memory_space<hbm>>
    %dma_start3A_219 = tpu.memref_slice %arg12[%dma_start3A_213] : memref<4x!tpu.dma_semaphore, #tpu.memory_space<semaphore_mem>> -> memref<1x!tpu.dma_semaphore, #tpu.memory_space<semaphore_mem>>
    %dma_start3A_220 = tpu.memref_squeeze %dma_start3A_219 : memref<1x!tpu.dma_semaphore, #tpu.memory_space<semaphore_mem>> -> memref<!tpu.dma_semaphore, #tpu.memory_space<semaphore_mem>>
    %dma_start3A_221 = arith.constant 0 : i32
    %dma_start3A_222 = tpu.memref_slice %arg5[%add3A_212, %dma_start3A_221] : memref<8192x128xf32, #tpu.memory_space<hbm>> -> memref<64x128xf32, #tpu.memory_space<hbm>>
    %dma_start3A_223 = arith.constant 64 : i32
    %dma_start3A_224 = arith.constant 0 : i32
    %dma_start3A_225 = tpu.memref_slice %arg7[%dma_start3A_223, %dma_start3A_224] : memref<256x128xf32, #tpu.memory_space<vmem>> -> memref<64x128xf32, #tpu.memory_space<vmem>>
    tpu.enqueue_dma source(%dma_start3A_225 : memref<64x128xf32, #tpu.memory_space<vmem>>) target(%dma_start3A_222 : memref<64x128xf32, #tpu.memory_space<hbm>>) target_semaphore(%dma_start3A_220 : memref<!tpu.dma_semaphore, #tpu.memory_space<semaphore_mem>>)
    %dma_wait3A_226 = arith.constant 2 : i32
    %dma_wait3A_227 = arith.constant 2 : i32
    %dma_wait3A_228 = arith.constant 128 : i32
    %dma_wait3A_229 = arith.constant 0 : i32
    %dma_wait3A_230 = tpu.memref_slice %arg7[%dma_wait3A_228, %dma_wait3A_229] : memref<256x128xf32, #tpu.memory_space<vmem>> -> memref<64x128xf32, #tpu.memory_space<vmem>>
    %dma_wait3A_231 = arith.constant 0 : i32
    %dma_wait3A_232 = tpu.memref_slice %arg6[%dma_wait3A_226, %dma_wait3A_231] : memref<4x64xi32, #tpu.memory_space<vmem>> -> memref<1x64xi32, #tpu.memory_space<vmem>>
    %dma_wait3A_233 = tpu.memref_squeeze %dma_wait3A_232 : memref<1x64xi32, #tpu.memory_space<vmem>> -> memref<64xi32, #tpu.memory_space<vmem>>
    %dma_wait3A_234 = arith.constant 0 : i32
    %dma_wait3A_235 = arith.constant 0 : i32
    %dma_wait3A_236 = tpu.memref_slice %arg3[%dma_wait3A_234, %dma_wait3A_235] : memref<100000x128xf32, #tpu.memory_space<hbm>> -> memref<100000x128xf32, #tpu.memory_space<hbm>>
    %dma_wait3A_237 = tpu.memref_slice %arg10[%dma_wait3A_227] : memref<4x!tpu.dma_semaphore, #tpu.memory_space<semaphore_mem>> -> memref<1x!tpu.dma_semaphore, #tpu.memory_space<semaphore_mem>>
    %dma_wait3A_238 = tpu.memref_squeeze %dma_wait3A_237 : memref<1x!tpu.dma_semaphore, #tpu.memory_space<semaphore_mem>> -> memref<!tpu.dma_semaphore, #tpu.memory_space<semaphore_mem>>
    tpu.wait_indirect_dma semaphore(%dma_wait3A_238 : memref<!tpu.dma_semaphore, #tpu.memory_space<semaphore_mem>>) src(%dma_wait3A_236 : memref<100000x128xf32, #tpu.memory_space<hbm>>) dst(%dma_wait3A_230 : memref<64x128xf32, #tpu.memory_space<vmem>>)
    %parallel_loop3A_239 = arith.constant 0 : i32
    %parallel_loop3A_240 = arith.constant 64 : i32
    %parallel_loop3A_241 = arith.constant 1 : i32
    scf.for %parallel_loop3A_340 = %parallel_loop3A_239 to %parallel_loop3A_240 step %parallel_loop3A_241  : i32 {
      %parallel_loop3A_341 = arith.constant 128 : i32
      %parallel_loop3A_342 = arith.addi %parallel_loop3A_341, %parallel_loop3A_340 : i32
      %parallel_loop3A_343 = arith.index_cast %parallel_loop3A_340 : i32 to index
      %parallel_loop3A_344 = arith.constant 0 : index
      %parallel_loop3A_345 = tpu.vector_load %arg8[%parallel_loop3A_343, %parallel_loop3A_344] {strides = array<i32>} : memref<64x128xf32, #tpu.memory_space<vmem>>, vector<1x16xf32>,
      %parallel_loop3A_346 = vector.shape_cast %parallel_loop3A_345 : vector<1x16xf32> to vector<16xf32>
      %parallel_loop3A_347 = arith.index_cast %parallel_loop3A_342 : i32 to index
      %parallel_loop3A_348 = arith.constant 0 : index
      %parallel_loop3A_349 = tpu.vector_load %arg7[%parallel_loop3A_347, %parallel_loop3A_348] {strides = array<i32>} : memref<256x128xf32, #tpu.memory_space<vmem>>, vector<1x16xf32>,
      %parallel_loop3A_350 = vector.shape_cast %parallel_loop3A_349 : vector<1x16xf32> to vector<16xf32>
      %parallel_loop3A_351 = vector.shape_cast %parallel_loop3A_346 : vector<16xf32> to vector<1x16xf32>
      tpu.vector_store %arg7[%parallel_loop3A_347, %parallel_loop3A_348], %parallel_loop3A_351 {add = true, strides = array<i32>} : memref<256x128xf32, #tpu.memory_space<vmem>>, vector<1x16xf32>,
      %parallel_loop3A_352 = arith.index_cast %parallel_loop3A_340 : i32 to index
      %parallel_loop3A_353 = arith.constant 16 : index
      %parallel_loop3A_354 = tpu.vector_load %arg8[%parallel_loop3A_352, %parallel_loop3A_353] {strides = array<i32>} : memref<64x128xf32, #tpu.memory_space<vmem>>, vector<1x16xf32>,
      %parallel_loop3A_355 = vector.shape_cast %parallel_loop3A_354 : vector<1x16xf32> to vector<16xf32>
      %parallel_loop3A_356 = arith.index_cast %parallel_loop3A_342 : i32 to index
      %parallel_loop3A_357 = arith.constant 16 : index
      %parallel_loop3A_358 = tpu.vector_load %arg7[%parallel_loop3A_356, %parallel_loop3A_357] {strides = array<i32>} : memref<256x128xf32, #tpu.memory_space<vmem>>, vector<1x16xf32>,
      %parallel_loop3A_359 = vector.shape_cast %parallel_loop3A_358 : vector<1x16xf32> to vector<16xf32>
      %parallel_loop3A_360 = vector.shape_cast %parallel_loop3A_355 : vector<16xf32> to vector<1x16xf32>
      tpu.vector_store %arg7[%parallel_loop3A_356, %parallel_loop3A_357], %parallel_loop3A_360 {add = true, strides = array<i32>} : memref<256x128xf32, #tpu.memory_space<vmem>>, vector<1x16xf32>,
      %parallel_loop3A_361 = arith.index_cast %parallel_loop3A_340 : i32 to index
      %parallel_loop3A_362 = arith.constant 32 : index
      %parallel_loop3A_363 = tpu.vector_load %arg8[%parallel_loop3A_361, %parallel_loop3A_362] {strides = array<i32>} : memref<64x128xf32, #tpu.memory_space<vmem>>, vector<1x16xf32>,
      %parallel_loop3A_364 = vector.shape_cast %parallel_loop3A_363 : vector<1x16xf32> to vector<16xf32>
      %parallel_loop3A_365 = arith.index_cast %parallel_loop3A_342 : i32 to index
      %parallel_loop3A_366 = arith.constant 32 : index
      %parallel_loop3A_367 = tpu.vector_load %arg7[%parallel_loop3A_365, %parallel_loop3A_366] {strides = array<i32>} : memref<256x128xf32, #tpu.memory_space<vmem>>, vector<1x16xf32>,
      %parallel_loop3A_368 = vector.shape_cast %parallel_loop3A_367 : vector<1x16xf32> to vector<16xf32>
      %parallel_loop3A_369 = vector.shape_cast %parallel_loop3A_364 : vector<16xf32> to vector<1x16xf32>
      tpu.vector_store %arg7[%parallel_loop3A_365, %parallel_loop3A_366], %parallel_loop3A_369 {add = true, strides = array<i32>} : memref<256x128xf32, #tpu.memory_space<vmem>>, vector<1x16xf32>,
      %parallel_loop3A_370 = arith.index_cast %parallel_loop3A_340 : i32 to index
      %parallel_loop3A_371 = arith.constant 48 : index
      %parallel_loop3A_372 = tpu.vector_load %arg8[%parallel_loop3A_370, %parallel_loop3A_371] {strides = array<i32>} : memref<64x128xf32, #tpu.memory_space<vmem>>, vector<1x16xf32>,
      %parallel_loop3A_373 = vector.shape_cast %parallel_loop3A_372 : vector<1x16xf32> to vector<16xf32>
      %parallel_loop3A_374 = arith.index_cast %parallel_loop3A_342 : i32 to index
      %parallel_loop3A_375 = arith.constant 48 : index
      %parallel_loop3A_376 = tpu.vector_load %arg7[%parallel_loop3A_374, %parallel_loop3A_375] {strides = array<i32>} : memref<256x128xf32, #tpu.memory_space<vmem>>, vector<1x16xf32>,
      %parallel_loop3A_377 = vector.shape_cast %parallel_loop3A_376 : vector<1x16xf32> to vector<16xf32>
      %parallel_loop3A_378 = vector.shape_cast %parallel_loop3A_373 : vector<16xf32> to vector<1x16xf32>
      tpu.vector_store %arg7[%parallel_loop3A_374, %parallel_loop3A_375], %parallel_loop3A_378 {add = true, strides = array<i32>} : memref<256x128xf32, #tpu.memory_space<vmem>>, vector<1x16xf32>,
      %parallel_loop3A_379 = arith.index_cast %parallel_loop3A_340 : i32 to index
      %parallel_loop3A_380 = arith.constant 64 : index
      %parallel_loop3A_381 = tpu.vector_load %arg8[%parallel_loop3A_379, %parallel_loop3A_380] {strides = array<i32>} : memref<64x128xf32, #tpu.memory_space<vmem>>, vector<1x16xf32>,
      %parallel_loop3A_382 = vector.shape_cast %parallel_loop3A_381 : vector<1x16xf32> to vector<16xf32>
      %parallel_loop3A_383 = arith.index_cast %parallel_loop3A_342 : i32 to index
      %parallel_loop3A_384 = arith.constant 64 : index
      %parallel_loop3A_385 = tpu.vector_load %arg7[%parallel_loop3A_383, %parallel_loop3A_384] {strides = array<i32>} : memref<256x128xf32, #tpu.memory_space<vmem>>, vector<1x16xf32>,
      %parallel_loop3A_386 = vector.shape_cast %parallel_loop3A_385 : vector<1x16xf32> to vector<16xf32>
      %parallel_loop3A_387 = vector.shape_cast %parallel_loop3A_382 : vector<16xf32> to vector<1x16xf32>
      tpu.vector_store %arg7[%parallel_loop3A_383, %parallel_loop3A_384], %parallel_loop3A_387 {add = true, strides = array<i32>} : memref<256x128xf32, #tpu.memory_space<vmem>>, vector<1x16xf32>,
      %parallel_loop3A_388 = arith.index_cast %parallel_loop3A_340 : i32 to index
      %parallel_loop3A_389 = arith.constant 80 : index
      %parallel_loop3A_390 = tpu.vector_load %arg8[%parallel_loop3A_388, %parallel_loop3A_389] {strides = array<i32>} : memref<64x128xf32, #tpu.memory_space<vmem>>, vector<1x16xf32>,
      %parallel_loop3A_391 = vector.shape_cast %parallel_loop3A_390 : vector<1x16xf32> to vector<16xf32>
      %parallel_loop3A_392 = arith.index_cast %parallel_loop3A_342 : i32 to index
      %parallel_loop3A_393 = arith.constant 80 : index
      %parallel_loop3A_394 = tpu.vector_load %arg7[%parallel_loop3A_392, %parallel_loop3A_393] {strides = array<i32>} : memref<256x128xf32, #tpu.memory_space<vmem>>, vector<1x16xf32>,
      %parallel_loop3A_395 = vector.shape_cast %parallel_loop3A_394 : vector<1x16xf32> to vector<16xf32>
      %parallel_loop3A_396 = vector.shape_cast %parallel_loop3A_391 : vector<16xf32> to vector<1x16xf32>
      tpu.vector_store %arg7[%parallel_loop3A_392, %parallel_loop3A_393], %parallel_loop3A_396 {add = true, strides = array<i32>} : memref<256x128xf32, #tpu.memory_space<vmem>>, vector<1x16xf32>,
      %parallel_loop3A_397 = arith.index_cast %parallel_loop3A_340 : i32 to index
      %parallel_loop3A_398 = arith.constant 96 : index
      %parallel_loop3A_399 = tpu.vector_load %arg8[%parallel_loop3A_397, %parallel_loop3A_398] {strides = array<i32>} : memref<64x128xf32, #tpu.memory_space<vmem>>, vector<1x16xf32>,
      %parallel_loop3A_400 = vector.shape_cast %parallel_loop3A_399 : vector<1x16xf32> to vector<16xf32>
      %parallel_loop3A_401 = arith.index_cast %parallel_loop3A_342 : i32 to index
      %parallel_loop3A_402 = arith.constant 96 : index
      %parallel_loop3A_403 = tpu.vector_load %arg7[%parallel_loop3A_401, %parallel_loop3A_402] {strides = array<i32>} : memref<256x128xf32, #tpu.memory_space<vmem>>, vector<1x16xf32>,
      %parallel_loop3A_404 = vector.shape_cast %parallel_loop3A_403 : vector<1x16xf32> to vector<16xf32>
      %parallel_loop3A_405 = vector.shape_cast %parallel_loop3A_400 : vector<16xf32> to vector<1x16xf32>
      tpu.vector_store %arg7[%parallel_loop3A_401, %parallel_loop3A_402], %parallel_loop3A_405 {add = true, strides = array<i32>} : memref<256x128xf32, #tpu.memory_space<vmem>>, vector<1x16xf32>,
      %parallel_loop3A_406 = arith.index_cast %parallel_loop3A_340 : i32 to index
      %parallel_loop3A_407 = arith.constant 112 : index
      %parallel_loop3A_408 = tpu.vector_load %arg8[%parallel_loop3A_406, %parallel_loop3A_407] {strides = array<i32>} : memref<64x128xf32, #tpu.memory_space<vmem>>, vector<1x16xf32>,
      %parallel_loop3A_409 = vector.shape_cast %parallel_loop3A_408 : vector<1x16xf32> to vector<16xf32>
      %parallel_loop3A_410 = arith.index_cast %parallel_loop3A_342 : i32 to index
      %parallel_loop3A_411 = arith.constant 112 : index
      %parallel_loop3A_412 = tpu.vector_load %arg7[%parallel_loop3A_410, %parallel_loop3A_411] {strides = array<i32>} : memref<256x128xf32, #tpu.memory_space<vmem>>, vector<1x16xf32>,
      %parallel_loop3A_413 = vector.shape_cast %parallel_loop3A_412 : vector<1x16xf32> to vector<16xf32>
      %parallel_loop3A_414 = vector.shape_cast %parallel_loop3A_409 : vector<16xf32> to vector<1x16xf32>
      tpu.vector_store %arg7[%parallel_loop3A_410, %parallel_loop3A_411], %parallel_loop3A_414 {add = true, strides = array<i32>} : memref<256x128xf32, #tpu.memory_space<vmem>>, vector<1x16xf32>,
    } {sc.loop_unroll_factor = 1 : i64, sc.parallel_access}
    %add3A_242 = arith.constant 4096 : i32
    %add3A_243 = arith.addi %add3A_242, %mul3A_2 : i32
    %dma_start3A_244 = arith.constant 2 : i32
    %dma_start3A_245 = arith.constant 128 : i32
    %dma_start3A_246 = arith.constant 0 : i32
    %dma_start3A_247 = tpu.memref_slice %arg7[%dma_start3A_245, %dma_start3A_246] : memref<256x128xf32, #tpu.memory_space<vmem>> -> memref<64x128xf32, #tpu.memory_space<vmem>>
    %dma_start3A_248 = arith.constant 0 : i32
    %dma_start3A_249 = tpu.memref_slice %arg5[%add3A_243, %dma_start3A_248] : memref<8192x128xf32, #tpu.memory_space<hbm>> -> memref<64x128xf32, #tpu.memory_space<hbm>>
    %dma_start3A_250 = tpu.memref_slice %arg12[%dma_start3A_244] : memref<4x!tpu.dma_semaphore, #tpu.memory_space<semaphore_mem>> -> memref<1x!tpu.dma_semaphore, #tpu.memory_space<semaphore_mem>>
    %dma_start3A_251 = tpu.memref_squeeze %dma_start3A_250 : memref<1x!tpu.dma_semaphore, #tpu.memory_space<semaphore_mem>> -> memref<!tpu.dma_semaphore, #tpu.memory_space<semaphore_mem>>
    %dma_start3A_252 = arith.constant 0 : i32
    %dma_start3A_253 = tpu.memref_slice %arg5[%add3A_243, %dma_start3A_252] : memref<8192x128xf32, #tpu.memory_space<hbm>> -> memref<64x128xf32, #tpu.memory_space<hbm>>
    %dma_start3A_254 = arith.constant 128 : i32
    %dma_start3A_255 = arith.constant 0 : i32
    %dma_start3A_256 = tpu.memref_slice %arg7[%dma_start3A_254, %dma_start3A_255] : memref<256x128xf32, #tpu.memory_space<vmem>> -> memref<64x128xf32, #tpu.memory_space<vmem>>
    tpu.enqueue_dma source(%dma_start3A_256 : memref<64x128xf32, #tpu.memory_space<vmem>>) target(%dma_start3A_253 : memref<64x128xf32, #tpu.memory_space<hbm>>) target_semaphore(%dma_start3A_251 : memref<!tpu.dma_semaphore, #tpu.memory_space<semaphore_mem>>)
    %dma_wait3A_257 = arith.constant 3 : i32
    %dma_wait3A_258 = arith.constant 3 : i32
    %dma_wait3A_259 = arith.constant 192 : i32
    %dma_wait3A_260 = arith.constant 0 : i32
    %dma_wait3A_261 = tpu.memref_slice %arg7[%dma_wait3A_259, %dma_wait3A_260] : memref<256x128xf32, #tpu.memory_space<vmem>> -> memref<64x128xf32, #tpu.memory_space<vmem>>
    %dma_wait3A_262 = arith.constant 0 : i32
    %dma_wait3A_263 = tpu.memref_slice %arg6[%dma_wait3A_257, %dma_wait3A_262] : memref<4x64xi32, #tpu.memory_space<vmem>> -> memref<1x64xi32, #tpu.memory_space<vmem>>
    %dma_wait3A_264 = tpu.memref_squeeze %dma_wait3A_263 : memref<1x64xi32, #tpu.memory_space<vmem>> -> memref<64xi32, #tpu.memory_space<vmem>>
    %dma_wait3A_265 = arith.constant 0 : i32
    %dma_wait3A_266 = arith.constant 0 : i32
    %dma_wait3A_267 = tpu.memref_slice %arg3[%dma_wait3A_265, %dma_wait3A_266] : memref<100000x128xf32, #tpu.memory_space<hbm>> -> memref<100000x128xf32, #tpu.memory_space<hbm>>
    %dma_wait3A_268 = tpu.memref_slice %arg10[%dma_wait3A_258] : memref<4x!tpu.dma_semaphore, #tpu.memory_space<semaphore_mem>> -> memref<1x!tpu.dma_semaphore, #tpu.memory_space<semaphore_mem>>
    %dma_wait3A_269 = tpu.memref_squeeze %dma_wait3A_268 : memref<1x!tpu.dma_semaphore, #tpu.memory_space<semaphore_mem>> -> memref<!tpu.dma_semaphore, #tpu.memory_space<semaphore_mem>>
    tpu.wait_indirect_dma semaphore(%dma_wait3A_269 : memref<!tpu.dma_semaphore, #tpu.memory_space<semaphore_mem>>) src(%dma_wait3A_267 : memref<100000x128xf32, #tpu.memory_space<hbm>>) dst(%dma_wait3A_261 : memref<64x128xf32, #tpu.memory_space<vmem>>)
    %parallel_loop3A_270 = arith.constant 0 : i32
    %parallel_loop3A_271 = arith.constant 64 : i32
    %parallel_loop3A_272 = arith.constant 1 : i32
    scf.for %parallel_loop3A_340 = %parallel_loop3A_270 to %parallel_loop3A_271 step %parallel_loop3A_272  : i32 {
      %parallel_loop3A_341 = arith.constant 192 : i32
      %parallel_loop3A_342 = arith.addi %parallel_loop3A_341, %parallel_loop3A_340 : i32
      %parallel_loop3A_343 = arith.index_cast %parallel_loop3A_340 : i32 to index
      %parallel_loop3A_344 = arith.constant 0 : index
      %parallel_loop3A_345 = tpu.vector_load %arg8[%parallel_loop3A_343, %parallel_loop3A_344] {strides = array<i32>} : memref<64x128xf32, #tpu.memory_space<vmem>>, vector<1x16xf32>,
      %parallel_loop3A_346 = vector.shape_cast %parallel_loop3A_345 : vector<1x16xf32> to vector<16xf32>
      %parallel_loop3A_347 = arith.index_cast %parallel_loop3A_342 : i32 to index
      %parallel_loop3A_348 = arith.constant 0 : index
      %parallel_loop3A_349 = tpu.vector_load %arg7[%parallel_loop3A_347, %parallel_loop3A_348] {strides = array<i32>} : memref<256x128xf32, #tpu.memory_space<vmem>>, vector<1x16xf32>,
      %parallel_loop3A_350 = vector.shape_cast %parallel_loop3A_349 : vector<1x16xf32> to vector<16xf32>
      %parallel_loop3A_351 = vector.shape_cast %parallel_loop3A_346 : vector<16xf32> to vector<1x16xf32>
      tpu.vector_store %arg7[%parallel_loop3A_347, %parallel_loop3A_348], %parallel_loop3A_351 {add = true, strides = array<i32>} : memref<256x128xf32, #tpu.memory_space<vmem>>, vector<1x16xf32>,
      %parallel_loop3A_352 = arith.index_cast %parallel_loop3A_340 : i32 to index
      %parallel_loop3A_353 = arith.constant 16 : index
      %parallel_loop3A_354 = tpu.vector_load %arg8[%parallel_loop3A_352, %parallel_loop3A_353] {strides = array<i32>} : memref<64x128xf32, #tpu.memory_space<vmem>>, vector<1x16xf32>,
      %parallel_loop3A_355 = vector.shape_cast %parallel_loop3A_354 : vector<1x16xf32> to vector<16xf32>
      %parallel_loop3A_356 = arith.index_cast %parallel_loop3A_342 : i32 to index
      %parallel_loop3A_357 = arith.constant 16 : index
      %parallel_loop3A_358 = tpu.vector_load %arg7[%parallel_loop3A_356, %parallel_loop3A_357] {strides = array<i32>} : memref<256x128xf32, #tpu.memory_space<vmem>>, vector<1x16xf32>,
      %parallel_loop3A_359 = vector.shape_cast %parallel_loop3A_358 : vector<1x16xf32> to vector<16xf32>
      %parallel_loop3A_360 = vector.shape_cast %parallel_loop3A_355 : vector<16xf32> to vector<1x16xf32>
      tpu.vector_store %arg7[%parallel_loop3A_356, %parallel_loop3A_357], %parallel_loop3A_360 {add = true, strides = array<i32>} : memref<256x128xf32, #tpu.memory_space<vmem>>, vector<1x16xf32>,
      %parallel_loop3A_361 = arith.index_cast %parallel_loop3A_340 : i32 to index
      %parallel_loop3A_362 = arith.constant 32 : index
      %parallel_loop3A_363 = tpu.vector_load %arg8[%parallel_loop3A_361, %parallel_loop3A_362] {strides = array<i32>} : memref<64x128xf32, #tpu.memory_space<vmem>>, vector<1x16xf32>,
      %parallel_loop3A_364 = vector.shape_cast %parallel_loop3A_363 : vector<1x16xf32> to vector<16xf32>
      %parallel_loop3A_365 = arith.index_cast %parallel_loop3A_342 : i32 to index
      %parallel_loop3A_366 = arith.constant 32 : index
      %parallel_loop3A_367 = tpu.vector_load %arg7[%parallel_loop3A_365, %parallel_loop3A_366] {strides = array<i32>} : memref<256x128xf32, #tpu.memory_space<vmem>>, vector<1x16xf32>,
      %parallel_loop3A_368 = vector.shape_cast %parallel_loop3A_367 : vector<1x16xf32> to vector<16xf32>
      %parallel_loop3A_369 = vector.shape_cast %parallel_loop3A_364 : vector<16xf32> to vector<1x16xf32>
      tpu.vector_store %arg7[%parallel_loop3A_365, %parallel_loop3A_366], %parallel_loop3A_369 {add = true, strides = array<i32>} : memref<256x128xf32, #tpu.memory_space<vmem>>, vector<1x16xf32>,
      %parallel_loop3A_370 = arith.index_cast %parallel_loop3A_340 : i32 to index
      %parallel_loop3A_371 = arith.constant 48 : index
      %parallel_loop3A_372 = tpu.vector_load %arg8[%parallel_loop3A_370, %parallel_loop3A_371] {strides = array<i32>} : memref<64x128xf32, #tpu.memory_space<vmem>>, vector<1x16xf32>,
      %parallel_loop3A_373 = vector.shape_cast %parallel_loop3A_372 : vector<1x16xf32> to vector<16xf32>
      %parallel_loop3A_374 = arith.index_cast %parallel_loop3A_342 : i32 to index
      %parallel_loop3A_375 = arith.constant 48 : index
      %parallel_loop3A_376 = tpu.vector_load %arg7[%parallel_loop3A_374, %parallel_loop3A_375] {strides = array<i32>} : memref<256x128xf32, #tpu.memory_space<vmem>>, vector<1x16xf32>,
      %parallel_loop3A_377 = vector.shape_cast %parallel_loop3A_376 : vector<1x16xf32> to vector<16xf32>
      %parallel_loop3A_378 = vector.shape_cast %parallel_loop3A_373 : vector<16xf32> to vector<1x16xf32>
      tpu.vector_store %arg7[%parallel_loop3A_374, %parallel_loop3A_375], %parallel_loop3A_378 {add = true, strides = array<i32>} : memref<256x128xf32, #tpu.memory_space<vmem>>, vector<1x16xf32>,
      %parallel_loop3A_379 = arith.index_cast %parallel_loop3A_340 : i32 to index
      %parallel_loop3A_380 = arith.constant 64 : index
      %parallel_loop3A_381 = tpu.vector_load %arg8[%parallel_loop3A_379, %parallel_loop3A_380] {strides = array<i32>} : memref<64x128xf32, #tpu.memory_space<vmem>>, vector<1x16xf32>,
      %parallel_loop3A_382 = vector.shape_cast %parallel_loop3A_381 : vector<1x16xf32> to vector<16xf32>
      %parallel_loop3A_383 = arith.index_cast %parallel_loop3A_342 : i32 to index
      %parallel_loop3A_384 = arith.constant 64 : index
      %parallel_loop3A_385 = tpu.vector_load %arg7[%parallel_loop3A_383, %parallel_loop3A_384] {strides = array<i32>} : memref<256x128xf32, #tpu.memory_space<vmem>>, vector<1x16xf32>,
      %parallel_loop3A_386 = vector.shape_cast %parallel_loop3A_385 : vector<1x16xf32> to vector<16xf32>
      %parallel_loop3A_387 = vector.shape_cast %parallel_loop3A_382 : vector<16xf32> to vector<1x16xf32>
      tpu.vector_store %arg7[%parallel_loop3A_383, %parallel_loop3A_384], %parallel_loop3A_387 {add = true, strides = array<i32>} : memref<256x128xf32, #tpu.memory_space<vmem>>, vector<1x16xf32>,
      %parallel_loop3A_388 = arith.index_cast %parallel_loop3A_340 : i32 to index
      %parallel_loop3A_389 = arith.constant 80 : index
      %parallel_loop3A_390 = tpu.vector_load %arg8[%parallel_loop3A_388, %parallel_loop3A_389] {strides = array<i32>} : memref<64x128xf32, #tpu.memory_space<vmem>>, vector<1x16xf32>,
      %parallel_loop3A_391 = vector.shape_cast %parallel_loop3A_390 : vector<1x16xf32> to vector<16xf32>
      %parallel_loop3A_392 = arith.index_cast %parallel_loop3A_342 : i32 to index
      %parallel_loop3A_393 = arith.constant 80 : index
      %parallel_loop3A_394 = tpu.vector_load %arg7[%parallel_loop3A_392, %parallel_loop3A_393] {strides = array<i32>} : memref<256x128xf32, #tpu.memory_space<vmem>>, vector<1x16xf32>,
      %parallel_loop3A_395 = vector.shape_cast %parallel_loop3A_394 : vector<1x16xf32> to vector<16xf32>
      %parallel_loop3A_396 = vector.shape_cast %parallel_loop3A_391 : vector<16xf32> to vector<1x16xf32>
      tpu.vector_store %arg7[%parallel_loop3A_392, %parallel_loop3A_393], %parallel_loop3A_396 {add = true, strides = array<i32>} : memref<256x128xf32, #tpu.memory_space<vmem>>, vector<1x16xf32>,
      %parallel_loop3A_397 = arith.index_cast %parallel_loop3A_340 : i32 to index
      %parallel_loop3A_398 = arith.constant 96 : index
      %parallel_loop3A_399 = tpu.vector_load %arg8[%parallel_loop3A_397, %parallel_loop3A_398] {strides = array<i32>} : memref<64x128xf32, #tpu.memory_space<vmem>>, vector<1x16xf32>,
      %parallel_loop3A_400 = vector.shape_cast %parallel_loop3A_399 : vector<1x16xf32> to vector<16xf32>
      %parallel_loop3A_401 = arith.index_cast %parallel_loop3A_342 : i32 to index
      %parallel_loop3A_402 = arith.constant 96 : index
      %parallel_loop3A_403 = tpu.vector_load %arg7[%parallel_loop3A_401, %parallel_loop3A_402] {strides = array<i32>} : memref<256x128xf32, #tpu.memory_space<vmem>>, vector<1x16xf32>,
      %parallel_loop3A_404 = vector.shape_cast %parallel_loop3A_403 : vector<1x16xf32> to vector<16xf32>
      %parallel_loop3A_405 = vector.shape_cast %parallel_loop3A_400 : vector<16xf32> to vector<1x16xf32>
      tpu.vector_store %arg7[%parallel_loop3A_401, %parallel_loop3A_402], %parallel_loop3A_405 {add = true, strides = array<i32>} : memref<256x128xf32, #tpu.memory_space<vmem>>, vector<1x16xf32>,
      %parallel_loop3A_406 = arith.index_cast %parallel_loop3A_340 : i32 to index
      %parallel_loop3A_407 = arith.constant 112 : index
      %parallel_loop3A_408 = tpu.vector_load %arg8[%parallel_loop3A_406, %parallel_loop3A_407] {strides = array<i32>} : memref<64x128xf32, #tpu.memory_space<vmem>>, vector<1x16xf32>,
      %parallel_loop3A_409 = vector.shape_cast %parallel_loop3A_408 : vector<1x16xf32> to vector<16xf32>
      %parallel_loop3A_410 = arith.index_cast %parallel_loop3A_342 : i32 to index
      %parallel_loop3A_411 = arith.constant 112 : index
      %parallel_loop3A_412 = tpu.vector_load %arg7[%parallel_loop3A_410, %parallel_loop3A_411] {strides = array<i32>} : memref<256x128xf32, #tpu.memory_space<vmem>>, vector<1x16xf32>,
      %parallel_loop3A_413 = vector.shape_cast %parallel_loop3A_412 : vector<1x16xf32> to vector<16xf32>
      %parallel_loop3A_414 = vector.shape_cast %parallel_loop3A_409 : vector<16xf32> to vector<1x16xf32>
      tpu.vector_store %arg7[%parallel_loop3A_410, %parallel_loop3A_411], %parallel_loop3A_414 {add = true, strides = array<i32>} : memref<256x128xf32, #tpu.memory_space<vmem>>, vector<1x16xf32>,
    } {sc.loop_unroll_factor = 1 : i64, sc.parallel_access}
    %add3A_273 = arith.constant 6144 : i32
    %add3A_274 = arith.addi %add3A_273, %mul3A_2 : i32
    %dma_start3A_275 = arith.constant 3 : i32
    %dma_start3A_276 = arith.constant 192 : i32
    %dma_start3A_277 = arith.constant 0 : i32
    %dma_start3A_278 = tpu.memref_slice %arg7[%dma_start3A_276, %dma_start3A_277] : memref<256x128xf32, #tpu.memory_space<vmem>> -> memref<64x128xf32, #tpu.memory_space<vmem>>
    %dma_start3A_279 = arith.constant 0 : i32
    %dma_start3A_280 = tpu.memref_slice %arg5[%add3A_274, %dma_start3A_279] : memref<8192x128xf32, #tpu.memory_space<hbm>> -> memref<64x128xf32, #tpu.memory_space<hbm>>
    %dma_start3A_281 = tpu.memref_slice %arg12[%dma_start3A_275] : memref<4x!tpu.dma_semaphore, #tpu.memory_space<semaphore_mem>> -> memref<1x!tpu.dma_semaphore, #tpu.memory_space<semaphore_mem>>
    %dma_start3A_282 = tpu.memref_squeeze %dma_start3A_281 : memref<1x!tpu.dma_semaphore, #tpu.memory_space<semaphore_mem>> -> memref<!tpu.dma_semaphore, #tpu.memory_space<semaphore_mem>>
    %dma_start3A_283 = arith.constant 0 : i32
    %dma_start3A_284 = tpu.memref_slice %arg5[%add3A_274, %dma_start3A_283] : memref<8192x128xf32, #tpu.memory_space<hbm>> -> memref<64x128xf32, #tpu.memory_space<hbm>>
    %dma_start3A_285 = arith.constant 192 : i32
    %dma_start3A_286 = arith.constant 0 : i32
    %dma_start3A_287 = tpu.memref_slice %arg7[%dma_start3A_285, %dma_start3A_286] : memref<256x128xf32, #tpu.memory_space<vmem>> -> memref<64x128xf32, #tpu.memory_space<vmem>>
    tpu.enqueue_dma source(%dma_start3A_287 : memref<64x128xf32, #tpu.memory_space<vmem>>) target(%dma_start3A_284 : memref<64x128xf32, #tpu.memory_space<hbm>>) target_semaphore(%dma_start3A_282 : memref<!tpu.dma_semaphore, #tpu.memory_space<semaphore_mem>>)
    %dma_wait3A_288 = arith.constant 0 : i32
    %dma_wait3A_289 = arith.constant 0 : i32
    %dma_wait3A_290 = arith.constant 0 : i32
    %dma_wait3A_291 = tpu.memref_slice %arg7[%dma_wait3A_289, %dma_wait3A_290] : memref<256x128xf32, #tpu.memory_space<vmem>> -> memref<64x128xf32, #tpu.memory_space<vmem>>
    %dma_wait3A_292 = arith.constant 0 : i32
    %dma_wait3A_293 = tpu.memref_slice %arg5[%add3A_181, %dma_wait3A_292] : memref<8192x128xf32, #tpu.memory_space<hbm>> -> memref<64x128xf32, #tpu.memory_space<hbm>>
    %dma_wait3A_294 = tpu.memref_slice %arg12[%dma_wait3A_288] : memref<4x!tpu.dma_semaphore, #tpu.memory_space<semaphore_mem>> -> memref<1x!tpu.dma_semaphore, #tpu.memory_space<semaphore_mem>>
    %dma_wait3A_295 = tpu.memref_squeeze %dma_wait3A_294 : memref<1x!tpu.dma_semaphore, #tpu.memory_space<semaphore_mem>> -> memref<!tpu.dma_semaphore, #tpu.memory_space<semaphore_mem>>
    %dma_wait3A_296 = arith.constant 0 : i32
    %dma_wait3A_297 = tpu.memref_slice %arg5[%add3A_181, %dma_wait3A_296] : memref<8192x128xf32, #tpu.memory_space<hbm>> -> memref<64x128xf32, #tpu.memory_space<hbm>>
    %dma_wait3A_298 = arith.constant 0 : i32
    %dma_wait3A_299 = arith.constant 0 : i32
    %dma_wait3A_300 = tpu.memref_slice %arg7[%dma_wait3A_298, %dma_wait3A_299] : memref<256x128xf32, #tpu.memory_space<vmem>> -> memref<64x128xf32, #tpu.memory_space<vmem>>
    tpu.wait_dma2 semaphore(%dma_wait3A_295 : memref<!tpu.dma_semaphore, #tpu.memory_space<semaphore_mem>>) src(%dma_wait3A_300 : memref<64x128xf32, #tpu.memory_space<vmem>>) dst(%dma_wait3A_297 : memref<64x128xf32, #tpu.memory_space<hbm>>)
    %dma_wait3A_301 = arith.constant 1 : i32
    %dma_wait3A_302 = arith.constant 64 : i32
    %dma_wait3A_303 = arith.constant 0 : i32
    %dma_wait3A_304 = tpu.memref_slice %arg7[%dma_wait3A_302, %dma_wait3A_303] : memref<256x128xf32, #tpu.memory_space<vmem>> -> memref<64x128xf32, #tpu.memory_space<vmem>>
    %dma_wait3A_305 = arith.constant 0 : i32
    %dma_wait3A_306 = tpu.memref_slice %arg5[%add3A_212, %dma_wait3A_305] : memref<8192x128xf32, #tpu.memory_space<hbm>> -> memref<64x128xf32, #tpu.memory_space<hbm>>
    %dma_wait3A_307 = tpu.memref_slice %arg12[%dma_wait3A_301] : memref<4x!tpu.dma_semaphore, #tpu.memory_space<semaphore_mem>> -> memref<1x!tpu.dma_semaphore, #tpu.memory_space<semaphore_mem>>
    %dma_wait3A_308 = tpu.memref_squeeze %dma_wait3A_307 : memref<1x!tpu.dma_semaphore, #tpu.memory_space<semaphore_mem>> -> memref<!tpu.dma_semaphore, #tpu.memory_space<semaphore_mem>>
    %dma_wait3A_309 = arith.constant 0 : i32
    %dma_wait3A_310 = tpu.memref_slice %arg5[%add3A_212, %dma_wait3A_309] : memref<8192x128xf32, #tpu.memory_space<hbm>> -> memref<64x128xf32, #tpu.memory_space<hbm>>
    %dma_wait3A_311 = arith.constant 64 : i32
    %dma_wait3A_312 = arith.constant 0 : i32
    %dma_wait3A_313 = tpu.memref_slice %arg7[%dma_wait3A_311, %dma_wait3A_312] : memref<256x128xf32, #tpu.memory_space<vmem>> -> memref<64x128xf32, #tpu.memory_space<vmem>>
    tpu.wait_dma2 semaphore(%dma_wait3A_308 : memref<!tpu.dma_semaphore, #tpu.memory_space<semaphore_mem>>) src(%dma_wait3A_313 : memref<64x128xf32, #tpu.memory_space<vmem>>) dst(%dma_wait3A_310 : memref<64x128xf32, #tpu.memory_space<hbm>>)
    %dma_wait3A_314 = arith.constant 2 : i32
    %dma_wait3A_315 = arith.constant 128 : i32
    %dma_wait3A_316 = arith.constant 0 : i32
    %dma_wait3A_317 = tpu.memref_slice %arg7[%dma_wait3A_315, %dma_wait3A_316] : memref<256x128xf32, #tpu.memory_space<vmem>> -> memref<64x128xf32, #tpu.memory_space<vmem>>
    %dma_wait3A_318 = arith.constant 0 : i32
    %dma_wait3A_319 = tpu.memref_slice %arg5[%add3A_243, %dma_wait3A_318] : memref<8192x128xf32, #tpu.memory_space<hbm>> -> memref<64x128xf32, #tpu.memory_space<hbm>>
    %dma_wait3A_320 = tpu.memref_slice %arg12[%dma_wait3A_314] : memref<4x!tpu.dma_semaphore, #tpu.memory_space<semaphore_mem>> -> memref<1x!tpu.dma_semaphore, #tpu.memory_space<semaphore_mem>>
    %dma_wait3A_321 = tpu.memref_squeeze %dma_wait3A_320 : memref<1x!tpu.dma_semaphore, #tpu.memory_space<semaphore_mem>> -> memref<!tpu.dma_semaphore, #tpu.memory_space<semaphore_mem>>
    %dma_wait3A_322 = arith.constant 0 : i32
    %dma_wait3A_323 = tpu.memref_slice %arg5[%add3A_243, %dma_wait3A_322] : memref<8192x128xf32, #tpu.memory_space<hbm>> -> memref<64x128xf32, #tpu.memory_space<hbm>>
    %dma_wait3A_324 = arith.constant 128 : i32
    %dma_wait3A_325 = arith.constant 0 : i32
    %dma_wait3A_326 = tpu.memref_slice %arg7[%dma_wait3A_324, %dma_wait3A_325] : memref<256x128xf32, #tpu.memory_space<vmem>> -> memref<64x128xf32, #tpu.memory_space<vmem>>
    tpu.wait_dma2 semaphore(%dma_wait3A_321 : memref<!tpu.dma_semaphore, #tpu.memory_space<semaphore_mem>>) src(%dma_wait3A_326 : memref<64x128xf32, #tpu.memory_space<vmem>>) dst(%dma_wait3A_323 : memref<64x128xf32, #tpu.memory_space<hbm>>)
    %dma_wait3A_327 = arith.constant 3 : i32
    %dma_wait3A_328 = arith.constant 192 : i32
    %dma_wait3A_329 = arith.constant 0 : i32
    %dma_wait3A_330 = tpu.memref_slice %arg7[%dma_wait3A_328, %dma_wait3A_329] : memref<256x128xf32, #tpu.memory_space<vmem>> -> memref<64x128xf32, #tpu.memory_space<vmem>>
    %dma_wait3A_331 = arith.constant 0 : i32
    %dma_wait3A_332 = tpu.memref_slice %arg5[%add3A_274, %dma_wait3A_331] : memref<8192x128xf32, #tpu.memory_space<hbm>> -> memref<64x128xf32, #tpu.memory_space<hbm>>
    %dma_wait3A_333 = tpu.memref_slice %arg12[%dma_wait3A_327] : memref<4x!tpu.dma_semaphore, #tpu.memory_space<semaphore_mem>> -> memref<1x!tpu.dma_semaphore, #tpu.memory_space<semaphore_mem>>
    %dma_wait3A_334 = tpu.memref_squeeze %dma_wait3A_333 : memref<1x!tpu.dma_semaphore, #tpu.memory_space<semaphore_mem>> -> memref<!tpu.dma_semaphore, #tpu.memory_space<semaphore_mem>>
    %dma_wait3A_335 = arith.constant 0 : i32
    %dma_wait3A_336 = tpu.memref_slice %arg5[%add3A_274, %dma_wait3A_335] : memref<8192x128xf32, #tpu.memory_space<hbm>> -> memref<64x128xf32, #tpu.memory_space<hbm>>
    %dma_wait3A_337 = arith.constant 192 : i32
    %dma_wait3A_338 = arith.constant 0 : i32
    %dma_wait3A_339 = tpu.memref_slice %arg7[%dma_wait3A_337, %dma_wait3A_338] : memref<256x128xf32, #tpu.memory_space<vmem>> -> memref<64x128xf32, #tpu.memory_space<vmem>>
    tpu.wait_dma2 semaphore(%dma_wait3A_334 : memref<!tpu.dma_semaphore, #tpu.memory_space<semaphore_mem>>) src(%dma_wait3A_339 : memref<64x128xf32, #tpu.memory_space<vmem>>) dst(%dma_wait3A_336 : memref<64x128xf32, #tpu.memory_space<hbm>>)
    return
  }
}

</mosaic_0001>

<sc_bundles>
// kernel: kernel.3.cloned.1.call-start
scs
__scs_entry_jumppad:
0x0: {  	(pc) =	sbr.rel $0x88, $3  }
0x1: {  	(tag) =	ssettag $0x0;
	lr =	simm.s32 $0x1  }
0x2: {  	[smem:$0x3F9E] =	sst lr;
	_ =	strace $0xD0000000  }
0x3: {  	_ = 	snop  }
0x4: {  	_ = 	snop  }
0x5: {  	_ = 	snop  }
0x6: {  	_ = 	snop  }
0x7: {  	_ = 	snop  }
__scs_overlays_trampoline_lowered:
0x8: {  	[smem:$0x3FAD] =	sst s0  }
0x9: {  	[smem:$0x3FAE] =	sst s1  }
0xa: {  	[smem:$0x3FAF] =	sst s2  }
0xb: {  	[smem:$0x3FB0] =	sst s3  }
0xc: {  	[smem:$0x3FB1] =	sst s4  }
0xd: {  	[smem:$0x3FB2] =	sst s5  }
0xe: {  	[smem:$0x3FB3] =	sst s6  }
0xf: {  	[smem:$0x3FB4] =	sst s7  }
0x10: {  	[smem:$0x3FB5] =	sst s8  }
0x11: {  	[smem:$0x3FB6] =	sst s9;
	s0 =	simm.s32 @!p0 $0x0  }
0x12: {  	s1 =	sld [smem:$0x3F9C];
	s0 =	simm.s32 @p0 $0x1  }
0x13: {  	[smem:$0x3FB7] =	sst s0;
	s0 =	simm.s32 @!p1 $0x0  }
0x14: {  	s2 =	sld [smem:$0x3F9B];
	s0 =	simm.s32 @p1 $0x1  }
0x15: {  	[smem:$0x3FB8] =	sst s0;
	s0 =	simm.s32 @!p2 $0x0  }
0x16: {  	s3 =	sld [smem:$0x3FDB];
	s0 =	simm.s32 @p2 $0x1  }
0x17: {  	s4 =	simm.s32 $0x1BF5;
	[smem:$0x3FBA] =	sst s0  }
0x18: {  	s0 =	sld [smem:$0x3F9D];
	_ =	swait.ge [sflag:s4], $0x0  }
0x19: {  	s7 =	sld [smem:$0x3F9E]  }
0x1a: {  	s8 =	sadd.s32 $0xFFFFE003, lr  }
0x1b: {  	s9 =	sadd.s32 $0xFFFFFEF7, lr;
	s5 =	simm.s32 $0xFFFFFFFF;
	p2 =	slt.u32 s8, $0xFFFFF086  }
0x1c: {  	p1 =	slt.u32 s9, $0xF7A;
	s5 =	simm.s32 @!p2 $0x0  }
0x1d: {  	s5 =	simm.s32 @p1 $0x1;
	p0 =	seq.s32 s7, s2  }
0x1e: {  	s7 =	smul.u32 @!p0 $0xF7A, s2;
	p2 =	seq.s32 @!p0 s5, $0x0  }
0x1f: {  	s9 =	smul.u32 $0xF7A, s1;
	s8 =	simm.s32 @!p0 $0x1BF5;
	p2 =	por !p2, p0  }
0x20: {  	[sflag:s8] =	ssyncset.s32 @!p0 $0xFFFFF086;
	s6 =	sadd.s32 @!p0 s3, s7;
	s7 =	simm.s32 @!p0 $0x108  }
0x21: {  	s3 =	sadd.s32 s3, s9;
	s6 =	sadd.s32 @!p0 $0x88, s6;
	s7 =	simm.s32 @p2 $0x1082  }
0x22: {  	[simem:s7], [sflag:s8] =	dma.local @!p0 [hbm:s6], $0xF7A  }
0x23: {  	s9 =	sor.u32 $0xD0000000, s2;
	s6 =	simm.s32 $0x108;
	_ =	swait.ge @!p0 [sflag:s8], $0x0  }
0x24: {  	s3 =	sadd.s32 $0x88, s3;
	s6 =	simm.s32 @!p1 $0x1082;
	[sflag:s4] =	ssyncset.s32 $0xFFFFF086  }
0x25: {  	[simem:s6], [sflag:s4] =	dma.local [hbm:s3], $0xF7A  }
0x26: {  	[smem:$0x3F9E] =	sst s1;
	(tag) =	ssettag s2;
	_ =	strace s9  }
0x27: {  	s1 =	sld [smem:$0x3FAE]  }
0x28: {  	s2 =	sld [smem:$0x3FAF]  }
0x29: {  	s4 =	sld [smem:$0x3FB1]  }
0x2a: {  	p0 =	seq.s32 s5, $0x0;
	s5 =	sld [smem:$0x3FB2]  }
0x2b: {  	s6 =	sld [smem:$0x3FB3]  }
0x2c: {  	s7 =	sld [smem:$0x3FB4]  }
0x2d: {  	s3 =	simm.s32 $0x108;
	s8 =	sld [smem:$0x3FB5]  }
0x2e: {  	s3 =	simm.s32 @!p0 $0x1082;
	s9 =	sld [smem:$0x3FB6]  }
0x2f: {  	lr =	sadd.s32 s0, s3;
	s0 =	sld [smem:$0x3FAD]  }
0x30: {  	s3 =	sld [smem:$0x3FB0]  }
0x31: {  	[smem:$0x3FB9] =	sst s10  }
0x32: {  	s10 =	sld [smem:$0x3FB7];
	_ =	sdelay $0x3  }
0x33: {  	p0 =	seq.s32 s10, $0x1;
	s10 =	sld [smem:$0x3FB9];
	_ =	sdelay $0x3  }
0x34: {  	[smem:$0x3FB9] =	sst s10  }
0x35: {  	s10 =	sld [smem:$0x3FB8];
	_ =	sdelay $0x3  }
0x36: {  	p1 =	seq.s32 s10, $0x1;
	s10 =	sld [smem:$0x3FB9];
	_ =	sdelay $0x3  }
0x37: {  	[smem:$0x3FB9] =	sst s10  }
0x38: {  	s10 =	sld [smem:$0x3FBA]  }
0x39: {  	_ = 	snop;
	(pc) =	sbr.ind lr, $3  }
0x3a: {  	_ = 	snop  }
0x3b: {  	_ = 	snop  }
0x3c: {  	p2 =	seq.s32 s10, $0x1;
	s10 =	sld [smem:$0x3FB9]  }
0x3d: {  	_ =	shalt  }
0x3e: {  	_ =	shalt  }
0x3f: {  	_ =	shalt  }
0x40: {  	_ =	shalt  }
0x41: {  	_ =	shalt  }
0x42: {  	_ =	shalt  }
0x43: {  	_ =	shalt  }
0x44: {  	_ =	shalt  }
0x45: {  	_ =	shalt  }
0x46: {  	_ =	shalt  }
0x47: {  	_ =	shalt  }
0x48: {  	_ =	shalt  }
0x49: {  	_ =	shalt  }
0x4a: {  	_ =	shalt  }
0x4b: {  	_ =	shalt  }
0x4c: {  	_ =	shalt  }
0x4d: {  	_ =	shalt  }
0x4e: {  	_ =	shalt  }
0x4f: {  	_ =	shalt  }
0x50: {  	_ =	shalt  }
0x51: {  	_ =	shalt  }
0x52: {  	_ =	shalt  }
0x53: {  	_ =	shalt  }
0x54: {  	_ =	shalt  }
0x55: {  	_ =	shalt  }
0x56: {  	_ =	shalt  }
0x57: {  	_ =	shalt  }
0x58: {  	_ =	shalt  }
0x59: {  	_ =	shalt  }
0x5a: {  	_ =	shalt  }
0x5b: {  	_ =	shalt  }
0x5c: {  	_ =	shalt  }
0x5d: {  	_ =	shalt  }
0x5e: {  	_ =	shalt  }
0x5f: {  	_ =	shalt  }
0x60: {  	_ =	shalt  }
0x61: {  	_ =	shalt  }
0x62: {  	_ =	shalt  }
0x63: {  	_ =	shalt  }
0x64: {  	_ =	shalt  }
0x65: {  	_ =	shalt  }
0x66: {  	_ =	shalt  }
0x67: {  	_ =	shalt  }
0x68: {  	_ =	shalt  }
0x69: {  	_ =	shalt  }
0x6a: {  	_ =	shalt  }
0x6b: {  	_ =	shalt  }
0x6c: {  	_ =	shalt  }
0x6d: {  	_ =	shalt  }
0x6e: {  	_ =	shalt  }
0x6f: {  	_ =	shalt  }
0x70: {  	_ =	shalt  }
0x71: {  	_ =	shalt  }
0x72: {  	_ =	shalt  }
0x73: {  	_ =	shalt  }
0x74: {  	_ =	shalt  }
0x75: {  	_ =	shalt  }
0x76: {  	_ =	shalt  }
0x77: {  	_ =	shalt  }
0x78: {  	_ =	shalt  }
0x79: {  	_ =	shalt  }
0x7a: {  	_ =	shalt  }
0x7b: {  	_ =	shalt  }
0x7c: {  	_ =	shalt  }
0x7d: {  	_ =	shalt  }
0x7e: {  	_ =	shalt  }
0x7f: {  	_ =	shalt  }
0x80: {  	_ =	shalt  }
0x81: {  	_ =	shalt  }
0x82: {  	_ =	shalt  }
0x83: {  	_ =	shalt  }
0x84: {  	_ =	shalt  }
0x85: {  	_ =	shalt  }
0x86: {  	_ =	shalt  }
0x87: {  	_ =	shalt  }
.Lfunc_end0:
.L_simem_size_0:
called_computation_lowered:
.L_overlay_start_0:
0x88: {  	s2 =	sld [smem:$0x3FD9]  }
0x89: {  	s3 =	sld [smem:$0x3FFE];
	_ =	sdelay $0x1  }
0x8a: {  	s1 =	srdreg.scid  }
0x8b: {  	s0 =	sand.u32 $0x1, s1  }
0x8c: {  	s17 =	sshll.u32 s0, $0xA;
	s2 =	sadd.s32 s3, s2  }
0x8d: {  	s2 =	sadd.s32 s2, s17  }
0x8e: {  	[smem:$0x3FC5] =	sst s2  }
0x8f: {  	_ = 	snop  }
0x90: {  	s2 =	sld [smem:$0x3FC8]  }
0x91: {  	s18 =	sld [smem:$0x3FC7]  }
0x92: {  	s4 =	sld [smem:$0x3FD0];
	(tm) =	ssettm $0x1  }
0x93: {  	s5 =	sld [smem:$0x3FFB];
	_ =	sdelay $0x3  }
0x94: {  	_ =	strace s5  }
0x95: {  	s5 =	sld [smem:$0x3FFC];
	_ =	sdelay $0x3  }
0x96: {  	_ =	strace s5  }
0x97: {  	s5 =	sld [smem:$0x3FFD];
	_ =	sdelay $0x3  }
0x98: {  	_ =	strace s5  }
0x99: {  	_ =	strace $0x8FFFFFFF  }
0x9a: {  	s19 =	sld [smem:$0x3FDB];
	_ =	sdelay $0x1  }
0x9b: {  	s6 =	simm.s32 $_scs_section_size  }
0x9c: {  	s7 =	simm.s32 $_size__tile_overlayer_lowered;
	s8 =	simm.s32 $_tile_overlayer_lowered  }
0x9d: {  	s22 =	simm.s32 $0x1BFF;
	s21 =	sshll.u32 s8, $0x1;
	s5 =	sadd.s32 s6, s19  }
0x9e: {  	s9 =	simm.s32 $0x0;
	s20 =	sshll.u32 s7, $0x1;
	s7 =	sadd.s32 s21, s5  }
0x9f: {  	[timem:s9], [sflag:s22] =	dma.local [hbm:s7], s20  }
0xa0: {  	_ =	swait.ge [sflag:s22], s20  }
0xa1: {  	s6 =	ssub.s32 $0x0, s20;
	[sflag:s22] =	ssyncset.done $0x0  }
0xa2: {  	[sflag:s22] =	ssyncadd.s32 s6;
	_ =	sdelay $0x1  }
0xa3: {  	s23 =	simm.s32 $0x1B8B  }
0xa4: {  	_ =	swait.ge [sflag:s23], $0x1  }
0xa5: {  	[sflag:s23] =	ssyncset.done $0x0  }
0xa6: {  	s25 =	simm.s32 $0x1B8E;
	s24 =	sld [smem:$0x3FFE];
	[sflag:s23] =	ssyncadd.s32 $0xFFFFFFFF  }
0xa7: {  	s26 =	simm.s32 $execute0_lowered;
	[smem:$0x3FD2] =	sst s25  }
0xa8: {  	s7 =	sshll.u32 s26, $0x1;
	_ =	strace $0x80000046;
	[dreg:$0x1] =	wrdreg $0xFFFFFFFF  }
0xa9: {  	s28 =	simm.s32 $_size_execute0_lowered;
	s5 =	sadd.s32 s5, s7;
	[dreg:$0x0] =	wrdreg $0x0  }
0xaa: {  	s7 =	sshll.u32 s28, $0x1;
	[dreg:$0x2] =	wrdreg s5  }
0xab: {  	[dreg:$0x3] =	wrdreg s7  }
0xac: {  	[dreg:$0x4] =	wrdreg $0xC0  }
0xad: {  	_ =	task [dreg:s9], $0x5FFFF  }
0xae: {  	[dreg:$0x1] =	wrdreg $0xFFFFFFFF  }
0xaf: {  	[dreg:$0x0] =	wrdreg $0x60  }
0xb0: {  	[dreg:$0x2] =	wrdreg s24  }
0xb1: {  	[dreg:$0x3] =	wrdreg s2  }
0xb2: {  	[dreg:$0x4] =	wrdreg s18  }
0xb3: {  	[dreg:$0x5] =	wrdreg s4  }
0xb4: {  	[dreg:$0x6] =	wrdreg $0x9  }
0xb5: {  	_ =	task.clear_ibuf [dreg:s9], $0x7FFFF;
	_ =	strace $0x90000046  }
0xb6: {  	s29 =	simm.s32 $0x9;
	_ =	strace $0x80000048  }
0xb7: {  	_ =	swait.ge [sflag:s29], $0x1  }
0xb8: {  	[sflag:s29] =	ssyncadd.s32 $0xFFFFFFFF  }
0xb9: {  	_ =	strace $0x90000048  }
0xba: {  	_ =	sfence  }
0xbb: {  	s30 =	sld [smem:$0x0];
	_ =	sdelay $0x2  }
0xbc: {  	s31 =	sshll.u32 s1, $0xD;
	s1 =	sshrl.u32 s1, $0x2  }
0xbd: {  	s3 =	sand.u32 $0x4000, s31;
	s1 =	sadd.s32 s1, s30  }
0xbe: {  	s0 =	sor.u32 s3, s0;
	s1 =	sshll.u32 s1, $0x11  }
0xbf: {  	s0 =	sor.u32 s1, s0  }
0xc0: {  	s0 =	sadd.s32 $0x8F2B, s0  }
0xc1: {  	[sflag:s0] =	ssyncadd.remote.s32 $0x1  }
0xc2: {  	_ =	sfence.sel $0xFFFF  }
0xc3: {  	[dreg:$0x0] =	wrdreg $0xFFFFFFFF;
	(pc) =	sbr.abs _section_cstart, $3  }
0xc4: {  	[dreg:$0x1] =	wrdreg $0xFFFFFFFF  }
0xc5: {  	_ =	task.clear_ibuf [dreg:s9], $0x2FFFF;
	_ =	strace $0x9FFFFFFF  }
0xc6: {  	(tm) =	ssettm $0x7FFFFFFF  }
0xc7: {  	_ =	shalt  }
tec
execute0_lowered:
.L_overlay_start_1:
0x0: {  	(tag) =	ssettag $0x1  }
0x1: {  	s0 =	rddreg [dreg:$0x0]  }
0x2: {  	s1 =	rddreg [dreg:$0x1]  }
0x3: {  	s2 =	rddreg [dreg:$0x2]  }
0x4: {  	s4 =	rddreg [dreg:$0x3];
	s3 =	simm.s32 $0x0  }
0x5: {  	s5 =	srdreg.scid;
	s7 =	stileid.u32;
	s14 =	simm.s32 $0x80  }
0x6: {  	s15 =	simm.s32 $0x100;
	s16 =	simm.s32 $0x180;
	s18 =	simm.s32 $0x1  }
0x7: {  	s28 =	simm.s32 $0x9;
	s29 =	simm.s32 $0x5;
	s30 =	simm.s32 $0x6  }
0x8: {  	s31 =	simm.s32 $0x7;
	s17 =	simm.s32 $0xB;
	s5 =	sand.u32 $0x1, s5  }
0x9: {  	[smem:$0x7FF] =	sst s3;
	s7 =	sshll.u32 s7, $0x7;
	s6 =	ssub.s32 $0x2, s5  }
0xa: {  	s0 =	sadd.s32 $0x400, s0;
	s5 =	sshll.u32 s5, $0x6;
	s8 =	sshrl.u32 s6, $0x1  }
0xb: {  	_ =	strace $0x80000047;
	s5 =	sor.u32 s5, s7;
	s6 =	ssub.s32 s6, s8  }
0xc: {  	s7 =	sshrl.u32 s5, $0x3;
	s19 =	sor.u32 $0x800, s5;
	s10 =	sor.u32 $0x1000, s5  }
0xd: {  	s11 =	sor.u32 $0x1800, s5;
	s5 =	sshll.u32 s5, $0x4;
	s7 =	sadd.s32 s0, s7  }
0xe: {  	s20 =	sshrl.u32 s19, $0x3;
	s21 =	sshrl.u32 s10, $0x3;
	s22 =	sshrl.u32 s11, $0x3  }
0xf: {  	s23 =	sadd.s32 s2, s5;
	s9 =	sadd.s32 s4, s5;
	s24 =	sshll.u32 s19, $0x4  }
0x10: {  	s25 =	sshll.u32 s10, $0x4;
	s26 =	sshll.u32 s11, $0x4;
	s13 =	smax.u32 s6, $0x1  }
0x11: {  	s19 =	simm.s32 $0x40;
	s2 =	simm.s32 $0xA;
	s5 =	simm.s32 $0xD  }
0x12: {  	s6 =	simm.s32 $0x0;
	[dreg:$0x5] =	wrdreg s7;
	s7 =	sadd.s32 s0, s20  }
0x13: {  	[dreg:$0x9] =	wrdreg s23;
	s10 =	sadd.s32 s4, s24;
	s11 =	sadd.s32 s4, s25  }
0x14: {  	s12 =	sadd.s32 s4, s26;
	s20 =	simm.s32 $0x200;
	s23 =	simm.s32 $0x3  }
0x15: {  	s24 =	simm.s32 $0x4200;
	s25 =	simm.s32 $0x4;
	s26 =	simm.s32 $0x6200  }
0x16: {  	s4 =	simm.s32 $0xC;
	[dreg:$0x6] =	wrdreg s7;
	s7 =	sadd.s32 s0, s21  }
0x17: {  	s0 =	sadd.s32 s0, s22;
	s21 =	simm.s32 $0x2;
	[dreg:$0x7] =	wrdreg s7  }
0x18: {  	s22 =	simm.s32 $0x2200;
	[dreg:$0x8] =	wrdreg s0;
	s0 =	simm.s32 $0x8  }
.LBB2_1:
0x19: {  	s7 =	rddreg [dreg:$0x5]  }
0x1a: {  	[tilespmem:s3], [sflag:$0x1] =	stream.linear.gather [hbm4b:s7+s3], $0x40, $0x38;
	[tilespmem:$0xA200] =	vst v63  }
0x1b: {  	s8 =	rddreg [dreg:$0x6]  }
0x1c: {  	[tilespmem:s14], [sflag:$0x2] =	stream.linear.gather [hbm4b:s8+s3], $0x40, $0x38;
	[tilespmem:$0xA200] =	vst v63  }
0x1d: {  	s8 =	rddreg [dreg:$0x7]  }
0x1e: {  	[tilespmem:s15], [sflag:$0x3] =	stream.linear.gather [hbm4b:s8+s3], $0x40, $0x38;
	[tilespmem:$0xA200] =	vst v63  }
0x1f: {  	s8 =	rddreg [dreg:$0x8]  }
0x20: {  	[tilespmem:s16], [sflag:$0x4] =	stream.linear.gather [hbm4b:s8+s3], $0x40, $0x38;
	[tilespmem:$0xA200] =	vst v63  }
0x21: {  	s7 =	rddreg [dreg:$0x9];
	s8 =	simm.s32 $0x8200  }
0x22: {  	[tilespmem:s8], [sflag:$0x9] =	stream.linear.gather [hbm4b:s7+s3], $0x2000, $0x38;
	[tilespmem:$0xA200] =	vst v63  }
0x23: {  	_ =	swait.ge [sflag:s18], $0x40  }
0x24: {  	[sflag:s18] =	ssyncset.done $0x0  }
0x25: {  	[sflag:s18] =	ssyncadd.s32 $0xFFFFFFC0  }
0x26: {  	[tilespmem:s20], [sflag:$0x5] =	stream.indirect.gather [hbm4b:s1+s19], $0x80, s3, s19, $0xb8;
	[tilespmem:$0xA200] =	vst v63  }
0x27: {  	_ =	swait.ge [sflag:s21], $0x40  }
0x28: {  	[sflag:s21] =	ssyncset.done $0x0  }
0x29: {  	[sflag:s21] =	ssyncadd.s32 $0xFFFFFFC0  }
0x2a: {  	[tilespmem:s22], [sflag:$0x6] =	stream.indirect.gather [hbm4b:s1+s19], $0x80, s14, s19, $0xb8;
	[tilespmem:$0xA200] =	vst v63  }
0x2b: {  	_ =	swait.ge [sflag:s23], $0x40  }
0x2c: {  	[sflag:s23] =	ssyncset.done $0x0  }
0x2d: {  	[sflag:s23] =	ssyncadd.s32 $0xFFFFFFC0  }
0x2e: {  	[tilespmem:s24], [sflag:$0x7] =	stream.indirect.gather [hbm4b:s1+s19], $0x80, s15, s19, $0xb8;
	[tilespmem:$0xA200] =	vst v63  }
0x2f: {  	_ =	swait.ge [sflag:s25], $0x40  }
0x30: {  	[sflag:s25] =	ssyncset.done $0x0  }
0x31: {  	[sflag:s25] =	ssyncadd.s32 $0xFFFFFFC0  }
0x32: {  	[tilespmem:s26], [sflag:$0x8] =	stream.indirect.gather [hbm4b:s1+s19], $0x80, s16, s19, $0xb8;
	[tilespmem:$0xA200] =	vst v63  }
0x33: {  	_ =	swait.ge [sflag:s28], $0x2000  }
0x34: {  	[sflag:s28] =	ssyncset.done $0x0  }
0x35: {  	[sflag:s28] =	ssyncadd.s32 $0xFFFFE000  }
0x36: {  	_ =	swait.ge [sflag:s29], $0x2000  }
0x37: {  	[sflag:s29] =	ssyncset.done $0x0  }
0x38: {  	s7 =	simm.s32 $0x0;
	s8 =	simm.s32 $0x200;
	[sflag:s29] =	ssyncadd.s32 $0xFFFFE000  }
.LBB2_2:
0x39: {  	p0 =	sne.s32 s8, $0x7E00;
	v0 =	vld [tilespmem:s7+$0x8270]  }
0x3a: {  	v1 =	vld [tilespmem:s7+$0x8200]  }
0x3b: {  	v2 =	vld [tilespmem:s7+$0x8210]  }
0x3c: {  	v3 =	vld [tilespmem:s7+$0x8220]  }
0x3d: {  	v4 =	vld [tilespmem:s7+$0x8230]  }
0x3e: {  	[tilespmem:s7+$0x270] =	vst.add.f32.msk $0xffff, v0  }
0x3f: {  	v0 =	vld [tilespmem:s7+$0x8240]  }
0x40: {  	v5 =	vld [tilespmem:s7+$0x8250]  }
0x41: {  	v6 =	vld [tilespmem:s7+$0x8260]  }
0x42: {  	[tilespmem:s7+$0x200] =	vst.add.f32.msk $0xffff, v1  }
0x43: {  	[tilespmem:s7+$0x210] =	vst.add.f32.msk $0xffff, v2  }
.Ltmp0:
0x44: {  	[tilespmem:s7+$0x220] =	vst.add.f32.msk $0xffff, v3;
	(pc) =	sbr.rel @p0 .LBB2_2-.Ltmp0, $4  }
0x45: {  	[tilespmem:s7+$0x230] =	vst.add.f32.msk $0xffff, v4  }
0x46: {  	[tilespmem:s7+$0x240] =	vst.add.f32.msk $0xffff, v0  }
0x47: {  	[tilespmem:s7+$0x250] =	vst.add.f32.msk $0xffff, v5  }
0x48: {  	[tilespmem:s7+$0x260] =	vst.add.f32.msk $0xffff, v6;
	s7 =	sshra.s32 s8, $0x2;
	s8 =	sadd.s32 $0x200, s8  }
0x49: {  	v0 =	vld [tilespmem:s7+$0x8270]  }
0x4a: {  	v1 =	vld [tilespmem:s7+$0x8200]  }
0x4b: {  	v2 =	vld [tilespmem:s7+$0x8210]  }
0x4c: {  	v3 =	vld [tilespmem:s7+$0x8220]  }
0x4d: {  	v4 =	vld [tilespmem:s7+$0x8230]  }
0x4e: {  	v63 =	vld [tilespmem:s7+$0x8240]  }
0x4f: {  	v5 =	vld [tilespmem:s7+$0x8250]  }
0x50: {  	v6 =	vld [tilespmem:s7+$0x8260]  }
0x51: {  	[tilespmem:s7+$0x270] =	vst.add.f32.msk $0xffff, v0  }
0x52: {  	[tilespmem:s7+$0x200] =	vst.add.f32.msk $0xffff, v1  }
0x53: {  	[tilespmem:s7+$0x210] =	vst.add.f32.msk $0xffff, v2  }
0x54: {  	[tilespmem:s7+$0x220] =	vst.add.f32.msk $0xffff, v3  }
0x55: {  	[tilespmem:s7+$0x230] =	vst.add.f32.msk $0xffff, v4  }
0x56: {  	[tilespmem:s7+$0x240] =	vst.add.f32.msk $0xffff, v63  }
0x57: {  	[tilespmem:s7+$0x250] =	vst.add.f32.msk $0xffff, v5  }
0x58: {  	s8 =	simm.s32 $0x0;
	[tilespmem:s7+$0x260] =	vst.add.f32.msk $0xffff, v6  }
0x59: {  	[hbm4b:s9+s8] =	stream.linear.scatter [tilespmem:s20], [sflag:$0xA], $0x2000, $0x38;
	[tilespmem:$0xA200] =	vst v63  }
0x5a: {  	_ =	swait.ge [sflag:s30], $0x2000  }
0x5b: {  	[sflag:s30] =	ssyncset.done $0x0  }
0x5c: {  	s7 =	simm.s32 $0x0;
	s8 =	simm.s32 $0x200;
	[sflag:s30] =	ssyncadd.s32 $0xFFFFE000  }
.LBB2_4:
0x5d: {  	p0 =	sne.s32 s8, $0x7E00;
	v0 =	vld [tilespmem:s7+$0x8270]  }
0x5e: {  	v1 =	vld [tilespmem:s7+$0x8200]  }
0x5f: {  	v2 =	vld [tilespmem:s7+$0x8210]  }
0x60: {  	v3 =	vld [tilespmem:s7+$0x8220]  }
0x61: {  	v4 =	vld [tilespmem:s7+$0x8230]  }
0x62: {  	[tilespmem:s7+$0x2270] =	vst.add.f32.msk $0xffff, v0  }
0x63: {  	v0 =	vld [tilespmem:s7+$0x8240]  }
0x64: {  	v5 =	vld [tilespmem:s7+$0x8250]  }
0x65: {  	v6 =	vld [tilespmem:s7+$0x8260]  }
0x66: {  	[tilespmem:s7+$0x2200] =	vst.add.f32.msk $0xffff, v1  }
0x67: {  	[tilespmem:s7+$0x2210] =	vst.add.f32.msk $0xffff, v2  }
.Ltmp1:
0x68: {  	[tilespmem:s7+$0x2220] =	vst.add.f32.msk $0xffff, v3;
	(pc) =	sbr.rel @p0 .LBB2_4-.Ltmp1, $4  }
0x69: {  	[tilespmem:s7+$0x2230] =	vst.add.f32.msk $0xffff, v4  }
0x6a: {  	[tilespmem:s7+$0x2240] =	vst.add.f32.msk $0xffff, v0  }
0x6b: {  	[tilespmem:s7+$0x2250] =	vst.add.f32.msk $0xffff, v5  }
0x6c: {  	[tilespmem:s7+$0x2260] =	vst.add.f32.msk $0xffff, v6;
	s7 =	sshra.s32 s8, $0x2;
	s8 =	sadd.s32 $0x200, s8  }
0x6d: {  	v0 =	vld [tilespmem:s7+$0x8270]  }
0x6e: {  	v1 =	vld [tilespmem:s7+$0x8200]  }
0x6f: {  	v2 =	vld [tilespmem:s7+$0x8210]  }
0x70: {  	v3 =	vld [tilespmem:s7+$0x8220]  }
0x71: {  	v4 =	vld [tilespmem:s7+$0x8230]  }
0x72: {  	v63 =	vld [tilespmem:s7+$0x8240]  }
0x73: {  	v5 =	vld [tilespmem:s7+$0x8250]  }
0x74: {  	v6 =	vld [tilespmem:s7+$0x8260]  }
0x75: {  	[tilespmem:s7+$0x2270] =	vst.add.f32.msk $0xffff, v0  }
0x76: {  	[tilespmem:s7+$0x2200] =	vst.add.f32.msk $0xffff, v1  }
0x77: {  	[tilespmem:s7+$0x2210] =	vst.add.f32.msk $0xffff, v2  }
0x78: {  	[tilespmem:s7+$0x2220] =	vst.add.f32.msk $0xffff, v3  }
0x79: {  	[tilespmem:s7+$0x2230] =	vst.add.f32.msk $0xffff, v4  }
0x7a: {  	[tilespmem:s7+$0x2240] =	vst.add.f32.msk $0xffff, v63  }
0x7b: {  	[tilespmem:s7+$0x2250] =	vst.add.f32.msk $0xffff, v5  }
0x7c: {  	s8 =	simm.s32 $0x0;
	[tilespmem:s7+$0x2260] =	vst.add.f32.msk $0xffff, v6  }
0x7d: {  	[hbm4b:s10+s8] =	stream.linear.scatter [tilespmem:s22], [sflag:$0xB], $0x2000, $0x38;
	[tilespmem:$0xA200] =	vst v63  }
0x7e: {  	_ =	swait.ge [sflag:s31], $0x2000  }
0x7f: {  	[sflag:s31] =	ssyncset.done $0x0  }
0x80: {  	s7 =	simm.s32 $0x0;
	s8 =	simm.s32 $0x200;
	[sflag:s31] =	ssyncadd.s32 $0xFFFFE000  }
.LBB2_6:
0x81: {  	p0 =	sne.s32 s8, $0x7E00;
	v0 =	vld [tilespmem:s7+$0x8270]  }
0x82: {  	v1 =	vld [tilespmem:s7+$0x8200]  }
0x83: {  	v2 =	vld [tilespmem:s7+$0x8210]  }
0x84: {  	v3 =	vld [tilespmem:s7+$0x8220]  }
0x85: {  	v4 =	vld [tilespmem:s7+$0x8230]  }
0x86: {  	[tilespmem:s7+$0x4270] =	vst.add.f32.msk $0xffff, v0  }
0x87: {  	v0 =	vld [tilespmem:s7+$0x8240]  }
0x88: {  	v5 =	vld [tilespmem:s7+$0x8250]  }
0x89: {  	v6 =	vld [tilespmem:s7+$0x8260]  }
0x8a: {  	[tilespmem:s7+$0x4200] =	vst.add.f32.msk $0xffff, v1  }
0x8b: {  	[tilespmem:s7+$0x4210] =	vst.add.f32.msk $0xffff, v2  }
.Ltmp2:
0x8c: {  	[tilespmem:s7+$0x4220] =	vst.add.f32.msk $0xffff, v3;
	(pc) =	sbr.rel @p0 .LBB2_6-.Ltmp2, $4  }
0x8d: {  	[tilespmem:s7+$0x4230] =	vst.add.f32.msk $0xffff, v4  }
0x8e: {  	[tilespmem:s7+$0x4240] =	vst.add.f32.msk $0xffff, v0  }
0x8f: {  	[tilespmem:s7+$0x4250] =	vst.add.f32.msk $0xffff, v5  }
0x90: {  	[tilespmem:s7+$0x4260] =	vst.add.f32.msk $0xffff, v6;
	s7 =	sshra.s32 s8, $0x2;
	s8 =	sadd.s32 $0x200, s8  }
0x91: {  	v0 =	vld [tilespmem:s7+$0x8270]  }
0x92: {  	v1 =	vld [tilespmem:s7+$0x8200]  }
0x93: {  	v2 =	vld [tilespmem:s7+$0x8210]  }
0x94: {  	v3 =	vld [tilespmem:s7+$0x8220]  }
0x95: {  	v4 =	vld [tilespmem:s7+$0x8230]  }
0x96: {  	v63 =	vld [tilespmem:s7+$0x8240]  }
0x97: {  	v5 =	vld [tilespmem:s7+$0x8250]  }
0x98: {  	v6 =	vld [tilespmem:s7+$0x8260]  }
0x99: {  	[tilespmem:s7+$0x4270] =	vst.add.f32.msk $0xffff, v0  }
0x9a: {  	[tilespmem:s7+$0x4200] =	vst.add.f32.msk $0xffff, v1  }
0x9b: {  	[tilespmem:s7+$0x4210] =	vst.add.f32.msk $0xffff, v2  }
0x9c: {  	[tilespmem:s7+$0x4220] =	vst.add.f32.msk $0xffff, v3  }
0x9d: {  	[tilespmem:s7+$0x4230] =	vst.add.f32.msk $0xffff, v4  }
0x9e: {  	[tilespmem:s7+$0x4240] =	vst.add.f32.msk $0xffff, v63  }
0x9f: {  	[tilespmem:s7+$0x4250] =	vst.add.f32.msk $0xffff, v5  }
0xa0: {  	s8 =	simm.s32 $0x0;
	[tilespmem:s7+$0x4260] =	vst.add.f32.msk $0xffff, v6  }
0xa1: {  	[hbm4b:s11+s8] =	stream.linear.scatter [tilespmem:s24], [sflag:$0xC], $0x2000, $0x38;
	[tilespmem:$0xA200] =	vst v63  }
0xa2: {  	_ =	swait.ge [sflag:s0], $0x2000  }
0xa3: {  	[sflag:s0] =	ssyncset.done $0x0  }
0xa4: {  	s7 =	simm.s32 $0x0;
	s8 =	simm.s32 $0x200;
	[sflag:s0] =	ssyncadd.s32 $0xFFFFE000  }
.LBB2_8:
0xa5: {  	p0 =	sne.s32 s8, $0x7E00;
	v0 =	vld [tilespmem:s7+$0x8270]  }
0xa6: {  	v1 =	vld [tilespmem:s7+$0x8200]  }
0xa7: {  	v2 =	vld [tilespmem:s7+$0x8210]  }
0xa8: {  	v3 =	vld [tilespmem:s7+$0x8220]  }
0xa9: {  	v4 =	vld [tilespmem:s7+$0x8230]  }
0xaa: {  	[tilespmem:s7+$0x6270] =	vst.add.f32.msk $0xffff, v0  }
0xab: {  	v0 =	vld [tilespmem:s7+$0x8240]  }
0xac: {  	v5 =	vld [tilespmem:s7+$0x8250]  }
0xad: {  	v6 =	vld [tilespmem:s7+$0x8260]  }
0xae: {  	[tilespmem:s7+$0x6200] =	vst.add.f32.msk $0xffff, v1  }
0xaf: {  	[tilespmem:s7+$0x6210] =	vst.add.f32.msk $0xffff, v2  }
.Ltmp3:
0xb0: {  	[tilespmem:s7+$0x6220] =	vst.add.f32.msk $0xffff, v3;
	(pc) =	sbr.rel @p0 .LBB2_8-.Ltmp3, $4  }
0xb1: {  	[tilespmem:s7+$0x6230] =	vst.add.f32.msk $0xffff, v4  }
0xb2: {  	[tilespmem:s7+$0x6240] =	vst.add.f32.msk $0xffff, v0  }
0xb3: {  	[tilespmem:s7+$0x6250] =	vst.add.f32.msk $0xffff, v5  }
0xb4: {  	[tilespmem:s7+$0x6260] =	vst.add.f32.msk $0xffff, v6;
	s7 =	sshra.s32 s8, $0x2;
	s8 =	sadd.s32 $0x200, s8  }
0xb5: {  	v0 =	vld [tilespmem:s7+$0x8270]  }
0xb6: {  	v1 =	vld [tilespmem:s7+$0x8200]  }
0xb7: {  	v2 =	vld [tilespmem:s7+$0x8210]  }
0xb8: {  	v3 =	vld [tilespmem:s7+$0x8220]  }
0xb9: {  	v4 =	vld [tilespmem:s7+$0x8230]  }
0xba: {  	v63 =	vld [tilespmem:s7+$0x8240]  }
0xbb: {  	v5 =	vld [tilespmem:s7+$0x8250]  }
0xbc: {  	v6 =	vld [tilespmem:s7+$0x8260]  }
0xbd: {  	[tilespmem:s7+$0x6270] =	vst.add.f32.msk $0xffff, v0  }
0xbe: {  	[tilespmem:s7+$0x6200] =	vst.add.f32.msk $0xffff, v1  }
0xbf: {  	[tilespmem:s7+$0x6210] =	vst.add.f32.msk $0xffff, v2  }
0xc0: {  	[tilespmem:s7+$0x6220] =	vst.add.f32.msk $0xffff, v3  }
0xc1: {  	[tilespmem:s7+$0x6230] =	vst.add.f32.msk $0xffff, v4  }
0xc2: {  	[tilespmem:s7+$0x6240] =	vst.add.f32.msk $0xffff, v63  }
0xc3: {  	[tilespmem:s7+$0x6250] =	vst.add.f32.msk $0xffff, v5  }
0xc4: {  	[tilespmem:s7+$0x6260] =	vst.add.f32.msk $0xffff, v6  }
0xc5: {  	[hbm4b:s12+s3] =	stream.linear.scatter [tilespmem:s26], [sflag:$0xD], $0x2000, $0x38;
	[tilespmem:$0xA200] =	vst v63  }
0xc6: {  	_ =	swait.ge [sflag:s2], $0x2000  }
0xc7: {  	[sflag:s2] =	ssyncset.done $0x0  }
0xc8: {  	[sflag:s2] =	ssyncadd.s32 $0xFFFFE000  }
0xc9: {  	_ =	swait.ge [sflag:s17], $0x2000  }
0xca: {  	[sflag:s17] =	ssyncset.done $0x0  }
0xcb: {  	s6 =	sadd.s32 $0x1, s6;
	[sflag:s17] =	ssyncadd.s32 $0xFFFFE000  }
0xcc: {  	p0 =	sne.s32 s6, s13;
	_ =	swait.ge [sflag:s4], $0x2000  }
.Ltmp4:
0xcd: {  	[sflag:s4] =	ssyncset.done $0x0;
	(pc) =	sbr.rel @p0 .LBB2_1-.Ltmp4, $4  }
0xce: {  	[sflag:s4] =	ssyncadd.s32 $0xFFFFE000  }
0xcf: {  	_ =	swait.ge [sflag:s5], $0x2000  }
0xd0: {  	[sflag:s5] =	ssyncset.done $0x0  }
0xd1: {  	[sflag:s5] =	ssyncadd.s32 $0xFFFFE000  }
0xd2: {  	_ =	sfence.sel $0x180000  }
0xd3: {  	[bflag:$0x0] =	sbarrier.arrive $0xFFFF  }
0xd4: {  	_ =	strace $0x90000047  }
0xd5: {  	s0 =	stileid.u32;
	[bflag:$0x2] =	sbarrier.arrive $0xFFFF  }
0xd6: {  	p0 =	sne.s32 s0, $0x0;
	s0 =	rddreg [dreg:$0x4]  }
0xd7: {  	s0 =	sadd.s32 @!p0 $0x100000, s0  }
0xd8: {  	[sflag:s0] =	ssyncadd.tile.s32 @!p0 $0x1;
	_ =	shalt  }
.Lfunc_end2:
_tile_overlayer_lowered:
.L_overlay_start_2:
0xd9: {  	(tag) =	ssettag $0x2  }
0xda: {  	s0 =	rddreg [dreg:$0x0];
	s2 =	stileid.u32  }
0xdb: {  	s1 =	rddreg [dreg:$0x1];
	p0 =	sne.s32 s2, $0x0  }
0xdc: {  	s3 =	rddreg [dreg:$0x2];
	[bflag:$0x3] =	sbarrier.arrive $0xFFFF;
	s2 =	simm.s32 @!p0 $0x1C0E  }
0xdd: {  	[timem:s3], [sflag:s2] =	dma.local @!p0 [hbm:s0], s1  }
0xde: {  	s0 =	simm.s32 @!p0 $0xE  }
0xdf: {  	_ =	swait.ge @!p0 [sflag:s0], s1  }
0xe0: {  	s1 =	ssub.s32 @!p0 $0x0, s1;
	[sflag:s0] =	ssyncset.done @!p0 $0x0  }
0xe1: {  	[sflag:s0] =	ssyncadd.s32 @!p0 s1  }
0xe2: {  	[bflag:$0x3] =	sbarrier.arrive $0xFFFF  }
0xe3: {  	_ =	shalt  }

</sc_bundles>
